<compile_context>
chip_gen: v7x
topology: tpu7x:2x2x1
jax: 0.10.2.dev20260603
libtpu: 0.0.44.dev20260713+nightly
codegen_flags: <defaults>
</compile_context>

<pallas_src>
import jax
import jax.numpy as jnp
from jax import lax
from jax.experimental import pallas as pl
from jax.experimental.pallas import tpu as pltpu
from jax.experimental.pallas import tpu_sc as plsc

N = 10000
E = 320000
D = 128
CNT = 16
EPS = 1e-5

NC = 2
NS = 16
NW = NC * NS
CB = 64
ROWS_PER_W = 160
EPAD = NW * ROWS_PER_W * CB
NDUMMY = 112
NPAD = N + NDUMMY

RB1 = 1000
RB2 = 1000


def _ln_body(x_ref, g_ref, b_ref, o_ref):
    x = x_ref[...]
    mu = jnp.mean(x, axis=1, keepdims=True)
    xc = x - mu
    var = jnp.mean(xc * xc, axis=1, keepdims=True)
    h = xc * lax.rsqrt(var + EPS) * g_ref[0:1, :] + b_ref[0:1, :]
    o_ref[...] = jnp.maximum(h, 0.0)


def _ln(x, gamma8, beta8):
    return pl.pallas_call(
        _ln_body,
        grid=(N // RB1,),
        in_specs=[
            pl.BlockSpec((RB1, D), lambda i: (i, 0)),
            pl.BlockSpec((8, D), lambda i: (0, 0)),
            pl.BlockSpec((8, D), lambda i: (0, 0)),
        ],
        out_specs=pl.BlockSpec((RB1, D), lambda i: (i, 0)),
        out_shape=jax.ShapeDtypeStruct((N, D), jnp.float32),
    )(x, gamma8, beta8)


def _edge_body(h, srcp, dstp, zf, zc, out, outc, src_v, dst_v,
               rows0, rows1, ones_v, acc_sh, cnt_sh,
               gsem0, gsem1, ssem0, ssem1):
    c = lax.axis_index("c")
    s = lax.axis_index("s")
    wid = s * NC + c
    rows = (rows0, rows1)
    gsem = (gsem0, gsem1)
    ssem = (ssem0, ssem1)

    def fill(i, carry):
        ones_v[i] = jnp.ones((CNT,), jnp.float32)
        return carry

    lax.fori_loop(0, CB, fill, 0)

    zsl = pl.ds(s * (NPAD // NS), NPAD // NS)
    pltpu.sync_copy(zf.at[zsl], acc_sh.at[zsl])
    pltpu.sync_copy(zc.at[zsl], cnt_sh.at[zsl])

    base = wid * ROWS_PER_W
    pltpu.sync_copy(srcp.at[pl.ds(base, ROWS_PER_W)], src_v)
    pltpu.sync_copy(dstp.at[pl.ds(base, ROWS_PER_W)], dst_v)
    plsc.subcore_barrier()

    def start_gather(j, b):
        pltpu.async_copy(h.at[src_v.at[j]], rows[b], gsem[b])

    def wait_gather(j, b):
        pltpu.make_async_copy(h.at[src_v.at[j]], rows[b], gsem[b]).wait()

    def start_scatter(j, b):
        pltpu.async_copy(rows[b], acc_sh.at[dst_v.at[j]], ssem[b], add=True)
        pltpu.async_copy(ones_v, cnt_sh.at[dst_v.at[j]], ssem[b], add=True)

    def wait_scatter(j, b):
        pltpu.make_async_copy(rows[b], acc_sh.at[dst_v.at[j]], ssem[b]).wait()
        pltpu.make_async_copy(ones_v, cnt_sh.at[dst_v.at[j]], ssem[b]).wait()

    start_gather(0, 0)

    def step(g, carry):
        for b in range(2):
            j = 2 * g + b

            @pl.when(j > 0)
            def _():
                wait_scatter(j - 1, 1 - b)

            @pl.when(j + 1 < ROWS_PER_W)
            def _():
                start_gather(j + 1, 1 - b)

            wait_gather(j, b)
            start_scatter(j, b)
        return carry

    lax.fori_loop(0, ROWS_PER_W // 2, step, 0)
    wait_scatter(ROWS_PER_W - 1, 1)
    plsc.subcore_barrier()

    pltpu.sync_copy(acc_sh.at[zsl], out.at[c, zsl])
    pltpu.sync_copy(cnt_sh.at[zsl], outc.at[c, zsl])


def _edge_pass(h, srcp, dstp, zf, zc):
    mesh = plsc.VectorSubcoreMesh(
        core_axis_name="c", subcore_axis_name="s",
        num_cores=NC, num_subcores=NS)
    return pl.kernel(
        _edge_body,
        out_type=(
            jax.ShapeDtypeStruct((NC, NPAD, D), jnp.float32),
            jax.ShapeDtypeStruct((NC, NPAD, CNT), jnp.float32),
        ),
        mesh=mesh,
        scratch_types=[
            pltpu.VMEM((ROWS_PER_W, CB), jnp.int32),
            pltpu.VMEM((ROWS_PER_W, CB), jnp.int32),
            pltpu.VMEM((CB, D), jnp.float32),
            pltpu.VMEM((CB, D), jnp.float32),
            pltpu.VMEM((CB, CNT), jnp.float32),
            pltpu.VMEM_SHARED((NPAD, D), jnp.float32),
            pltpu.VMEM_SHARED((NPAD, CNT), jnp.float32),
            pltpu.SemaphoreType.DMA,
            pltpu.SemaphoreType.DMA,
            pltpu.SemaphoreType.DMA,
            pltpu.SemaphoreType.DMA,
        ],
        compiler_params=pltpu.CompilerParams(use_tc_tiling_on_sc=False),
    )(h, srcp, dstp, zf, zc)


def _self_body(h_ref, wrt_ref, bl_ref, o_ref):
    o_ref[...] = (
        jnp.dot(h_ref[...], wrt_ref[...], preferred_element_type=jnp.float32)
        + bl_ref[0:1, :]
    )


def _self_mm(h, wrt, bl8):
    return pl.pallas_call(
        _self_body,
        grid=(N // RB2,),
        in_specs=[
            pl.BlockSpec((RB2, D), lambda i: (i, 0)),
            pl.BlockSpec((D, D), lambda i: (0, 0)),
            pl.BlockSpec((8, D), lambda i: (0, 0)),
        ],
        out_specs=pl.BlockSpec((RB2, D), lambda i: (i, 0)),
        out_shape=jax.ShapeDtypeStruct((N, D), jnp.float32),
    )(h, wrt, bl8)


def _mm_body(p_ref, c_ref, s_ref, wlt_ref, o_ref):
    agg = p_ref[0] + p_ref[1]
    cnt = c_ref[0][:, 0:1] + c_ref[1][:, 0:1]
    mean = agg / jnp.maximum(cnt, 1.0)
    out = (
        jnp.dot(mean, wlt_ref[...], preferred_element_type=jnp.float32)
        + s_ref[...]
    )
    o_ref[...] = out


def _combine_mm(parts, cntp, selfmm, wlt):
    return pl.pallas_call(
        _mm_body,
        grid=(N // RB2,),
        in_specs=[
            pl.BlockSpec((NC, RB2, D), lambda i: (0, i, 0)),
            pl.BlockSpec((NC, RB2, CNT), lambda i: (0, i, 0)),
            pl.BlockSpec((RB2, D), lambda i: (i, 0)),
            pl.BlockSpec((D, D), lambda i: (0, 0)),
        ],
        out_specs=pl.BlockSpec((RB2, D), lambda i: (i, 0)),
        out_shape=jax.ShapeDtypeStruct((N, D), jnp.float32),
    )(parts, cntp, selfmm, wlt)


@jax.jit
def kernel(x, edge_index, gamma, beta, W_l, b_l, W_r):
    src = edge_index[0]
    dst = edge_index[1]
    pad = EPAD - E
    pad_ids = jnp.arange(pad, dtype=jnp.int32)
    srcp = jnp.concatenate([src, pad_ids % 577]).reshape(NW * ROWS_PER_W, CB)
    dstp = jnp.concatenate([dst, N + (pad_ids % NDUMMY)]).reshape(
        NW * ROWS_PER_W, CB)
    gamma8 = jnp.broadcast_to(gamma, (8, D))
    beta8 = jnp.broadcast_to(beta, (8, D))
    bl8 = jnp.broadcast_to(b_l, (8, D))
    zf = jnp.zeros((NPAD, D), jnp.float32)
    zc = jnp.zeros((NPAD, CNT), jnp.float32)

    h = _ln(x, gamma8, beta8)
    parts, cntp = _edge_pass(h, srcp, dstp, zf, zc)
    selfmm = _self_mm(h, W_r.T, bl8)
    return _combine_mm(parts, cntp, selfmm, W_l.T)

# --- scband reference (transcript-rebuilt; emitter-appended) ---
"""Pipeline reference for scband-gnnblock-4071628996857 (READ-ONLY COPY).

The authoritative reference and input builder live on the scoring server;
editing this copy changes nothing except your own understanding.
"""

import jax, jax.numpy as jnp
import numpy as np

N = 10000
E = 320000
D = 128
EPS = 1e-5


def setup_inputs(seed: int = 0) -> dict:
    key = jax.random.key(seed)
    k1, k2, k3, k4 = jax.random.split(key, 4)
    x = jax.random.normal(k1, (N, D), dtype=jnp.float32)
    edge_index = jax.random.randint(k2, (2, E), 0, N, dtype=jnp.int32)
    # LayerNorm affine params (elementwise_affine=True)
    gamma = jnp.ones((D,), dtype=jnp.float32)
    beta = jnp.zeros((D,), dtype=jnp.float32)
    # SAGEConv params: lin_l (applied to aggregated neighbors, with bias),
    # lin_r (applied to root/self features, no bias) - PyG defaults
    W_l = jax.random.normal(k3, (D, D), dtype=jnp.float32) * (1.0 / np.sqrt(D))
    b_l = jnp.zeros((D,), dtype=jnp.float32)
    W_r = jax.random.normal(k4, (D, D), dtype=jnp.float32) * (1.0 / np.sqrt(D))
    return {"x": x, "edge_index": edge_index, "gamma": gamma, "beta": beta,
            "W_l": W_l, "b_l": b_l, "W_r": W_r}


def reference(x, edge_index, gamma, beta, W_l, b_l, W_r):
    # LayerNorm (biased variance, matching torch) + ReLU
    mean = jnp.mean(x, axis=-1, keepdims=True)
    var = jnp.var(x, axis=-1, keepdims=True)
    h = (x - mean) / jnp.sqrt(var + EPS) * gamma + beta
    h = jax.nn.relu(h)
    # SAGEConv with mean aggregation: out = lin_l(mean_{j in N(i)} h_j) + lin_r(h_i)
    src = edge_index[0]
    dst = edge_index[1]
    msg = jnp.take(h, src, axis=0)                      # gather (SparseCore)
    agg = jax.ops.segment_sum(msg, dst, num_segments=N)  # scatter-add
    cnt = jax.ops.segment_sum(jnp.ones((E,), dtype=h.dtype), dst, num_segments=N)
    mean_agg = agg / jnp.clip(cnt, 1.0, None)[:, None]
    out = mean_agg @ W_l.T + b_l + h @ W_r.T
    return out

if __name__ == "__main__":
    import jax
    _d = setup_inputs()
    print(jax.jit(kernel)(*tuple(_d.values())))

</pallas_src>

<mosaic_0001>
#map = affine_map<(d0, d1) -> (0, 0)>
#map1 = affine_map<(d0, d1) -> (0, 0, 0)>
module attributes {stable_mosaic.version = 14 : i64} {
  func.func @_edge_body(%arg0: i32, %arg1: i32, %arg2: memref<10000x128xf32, #tpu.memory_space<hbm>>, %arg3: memref<5120x64xi32, #tpu.memory_space<hbm>>, %arg4: memref<5120x64xi32, #tpu.memory_space<hbm>>, %arg5: memref<10112x128xf32, #tpu.memory_space<hbm>>, %arg6: memref<10112x16xf32, #tpu.memory_space<hbm>>, %arg7: memref<2x10112x128xf32, #tpu.memory_space<hbm>>, %arg8: memref<2x10112x16xf32, #tpu.memory_space<hbm>>, %arg9: memref<160x64xi32, #tpu.memory_space<vmem>>, %arg10: memref<160x64xi32, #tpu.memory_space<vmem>>, %arg11: memref<64x128xf32, #tpu.memory_space<vmem>>, %arg12: memref<64x128xf32, #tpu.memory_space<vmem>>, %arg13: memref<64x16xf32, #tpu.memory_space<vmem>>, %arg14: memref<10112x128xf32, #tpu.memory_space<vmem_shared>>, %arg15: memref<10112x16xf32, #tpu.memory_space<vmem_shared>>, %arg16: memref<!tpu.dma_semaphore, #tpu.memory_space<semaphore_mem>>, %arg17: memref<!tpu.dma_semaphore, #tpu.memory_space<semaphore_mem>>, %arg18: memref<!tpu.dma_semaphore, #tpu.memory_space<semaphore_mem>>, %arg19: memref<!tpu.dma_semaphore, #tpu.memory_space<semaphore_mem>>) attributes {dimension_semantics = [#tpu.dimension_semantics<core_parallel>, #tpu.dimension_semantics<subcore_parallel>], iteration_bounds = array<i64: 2, 16>, scalar_prefetch = 0 : i64, scratch_operands = 11 : i64, tpu.core_type = #tpu.core_type<sc_vector_subcore>, window_params = [{transform_indices = #map}, {transform_indices = #map}, {transform_indices = #map}, {transform_indices = #map}, {transform_indices = #map}, {transform_indices = #map1}, {transform_indices = #map1}]} {
    %mul3A = arith.constant 2 : i32
    %mul3A_0 = arith.muli %arg1, %mul3A : i32
    %add3A = arith.addi %mul3A_0, %arg0 : i32
    %scan3A = arith.constant 0 : i32
    %scan3A_1 = arith.constant 0 : i32
    %scan3A_2 = arith.constant 64 : i32
    %scan3A_3 = arith.addi %scan3A_1, %scan3A_2 : i32
    %scan3A_4 = arith.constant 1 : i32
    scf.for %scan3A_36 = %scan3A_1 to %scan3A_3 step %scan3A_4  : i32 {
      %broadcast_in_dim3A = arith.constant 1.000000e+00 : f32
      %broadcast_in_dim3A_37 = vector.broadcast %broadcast_in_dim3A : f32 to vector<16xf32>
      %swap3A = arith.index_cast %scan3A_36 : i32 to index
      %swap3A_38 = arith.constant 0 : index
      %swap3A_39 = tpu.vector_load %arg13[%swap3A, %swap3A_38] {strides = array<i32>} : memref<64x16xf32, #tpu.memory_space<vmem>>, vector<1x16xf32>,
      %swap3A_40 = vector.shape_cast %swap3A_39 : vector<1x16xf32> to vector<16xf32>
      %swap3A_41 = vector.shape_cast %broadcast_in_dim3A_37 : vector<16xf32> to vector<1x16xf32>
      tpu.vector_store %arg13[%swap3A, %swap3A_38], %swap3A_41 {strides = array<i32>} : memref<64x16xf32, #tpu.memory_space<vmem>>, vector<1x16xf32>,
    }
    %scan3A_5 = arith.constant 64 : i32
    %mul3A_6 = arith.constant 632 : i32
    %mul3A_7 = arith.muli %arg1, %mul3A_6 : i32
    "tpu.region"() ({
      %run_scoped3A = tpu.sem_alloc : memref<!tpu.dma_semaphore, #tpu.memory_space<semaphore_mem>>
      %dma_start3A_36 = arith.constant 0 : i32
      %dma_start3A_37 = tpu.memref_slice %arg14[%mul3A_7, %dma_start3A_36] : memref<10112x128xf32, #tpu.memory_space<vmem_shared>> -> memref<632x128xf32, #tpu.memory_space<vmem_shared>>
      %dma_start3A_38 = arith.constant 0 : i32
      %dma_start3A_39 = tpu.memref_slice %arg5[%mul3A_7, %dma_start3A_38] : memref<10112x128xf32, #tpu.memory_space<hbm>> -> memref<632x128xf32, #tpu.memory_space<hbm>>
      tpu.enqueue_dma source(%dma_start3A_39 : memref<632x128xf32, #tpu.memory_space<hbm>>) target(%dma_start3A_37 : memref<632x128xf32, #tpu.memory_space<vmem_shared>>) target_semaphore(%run_scoped3A : memref<!tpu.dma_semaphore, #tpu.memory_space<semaphore_mem>>)
      %dma_wait3A_40 = arith.constant 0 : i32
      %dma_wait3A_41 = tpu.memref_slice %arg14[%mul3A_7, %dma_wait3A_40] : memref<10112x128xf32, #tpu.memory_space<vmem_shared>> -> memref<632x128xf32, #tpu.memory_space<vmem_shared>>
      %dma_wait3A_42 = arith.constant 0 : i32
      %dma_wait3A_43 = tpu.memref_slice %arg5[%mul3A_7, %dma_wait3A_42] : memref<10112x128xf32, #tpu.memory_space<hbm>> -> memref<632x128xf32, #tpu.memory_space<hbm>>
      tpu.wait_dma2 semaphore(%run_scoped3A : memref<!tpu.dma_semaphore, #tpu.memory_space<semaphore_mem>>) src(%dma_wait3A_43 : memref<632x128xf32, #tpu.memory_space<hbm>>) dst(%dma_wait3A_41 : memref<632x128xf32, #tpu.memory_space<vmem_shared>>)
      tpu.yield
    }) : () -> ()
    "tpu.region"() ({
      %run_scoped3A = tpu.sem_alloc : memref<!tpu.dma_semaphore, #tpu.memory_space<semaphore_mem>>
      %dma_start3A_36 = arith.constant 0 : i32
      %dma_start3A_37 = tpu.memref_slice %arg15[%mul3A_7, %dma_start3A_36] : memref<10112x16xf32, #tpu.memory_space<vmem_shared>> -> memref<632x16xf32, #tpu.memory_space<vmem_shared>>
      %dma_start3A_38 = arith.constant 0 : i32
      %dma_start3A_39 = tpu.memref_slice %arg6[%mul3A_7, %dma_start3A_38] : memref<10112x16xf32, #tpu.memory_space<hbm>> -> memref<632x16xf32, #tpu.memory_space<hbm>>
      tpu.enqueue_dma source(%dma_start3A_39 : memref<632x16xf32, #tpu.memory_space<hbm>>) target(%dma_start3A_37 : memref<632x16xf32, #tpu.memory_space<vmem_shared>>) target_semaphore(%run_scoped3A : memref<!tpu.dma_semaphore, #tpu.memory_space<semaphore_mem>>)
      %dma_wait3A_40 = arith.constant 0 : i32
      %dma_wait3A_41 = tpu.memref_slice %arg15[%mul3A_7, %dma_wait3A_40] : memref<10112x16xf32, #tpu.memory_space<vmem_shared>> -> memref<632x16xf32, #tpu.memory_space<vmem_shared>>
      %dma_wait3A_42 = arith.constant 0 : i32
      %dma_wait3A_43 = tpu.memref_slice %arg6[%mul3A_7, %dma_wait3A_42] : memref<10112x16xf32, #tpu.memory_space<hbm>> -> memref<632x16xf32, #tpu.memory_space<hbm>>
      tpu.wait_dma2 semaphore(%run_scoped3A : memref<!tpu.dma_semaphore, #tpu.memory_space<semaphore_mem>>) src(%dma_wait3A_43 : memref<632x16xf32, #tpu.memory_space<hbm>>) dst(%dma_wait3A_41 : memref<632x16xf32, #tpu.memory_space<vmem_shared>>)
      tpu.yield
    }) : () -> ()
    %mul3A_8 = arith.constant 160 : i32
    %mul3A_9 = arith.muli %add3A, %mul3A_8 : i32
    "tpu.region"() ({
      %run_scoped3A = tpu.sem_alloc : memref<!tpu.dma_semaphore, #tpu.memory_space<semaphore_mem>>
      %dma_start3A_36 = arith.constant 0 : i32
      %dma_start3A_37 = tpu.memref_slice %arg3[%mul3A_9, %dma_start3A_36] : memref<5120x64xi32, #tpu.memory_space<hbm>> -> memref<160x64xi32, #tpu.memory_space<hbm>>
      %dma_start3A_38 = arith.constant 0 : i32
      %dma_start3A_39 = tpu.memref_slice %arg3[%mul3A_9, %dma_start3A_38] : memref<5120x64xi32, #tpu.memory_space<hbm>> -> memref<160x64xi32, #tpu.memory_space<hbm>>
      tpu.enqueue_dma source(%dma_start3A_39 : memref<160x64xi32, #tpu.memory_space<hbm>>) target(%arg9 : memref<160x64xi32, #tpu.memory_space<vmem>>) target_semaphore(%run_scoped3A : memref<!tpu.dma_semaphore, #tpu.memory_space<semaphore_mem>>)
      %dma_wait3A_40 = arith.constant 0 : i32
      %dma_wait3A_41 = tpu.memref_slice %arg3[%mul3A_9, %dma_wait3A_40] : memref<5120x64xi32, #tpu.memory_space<hbm>> -> memref<160x64xi32, #tpu.memory_space<hbm>>
      %dma_wait3A_42 = arith.constant 0 : i32
      %dma_wait3A_43 = tpu.memref_slice %arg3[%mul3A_9, %dma_wait3A_42] : memref<5120x64xi32, #tpu.memory_space<hbm>> -> memref<160x64xi32, #tpu.memory_space<hbm>>
      tpu.wait_dma2 semaphore(%run_scoped3A : memref<!tpu.dma_semaphore, #tpu.memory_space<semaphore_mem>>) src(%dma_wait3A_43 : memref<160x64xi32, #tpu.memory_space<hbm>>) dst(%arg9 : memref<160x64xi32, #tpu.memory_space<vmem>>)
      tpu.yield
    }) : () -> ()
    "tpu.region"() ({
      %run_scoped3A = tpu.sem_alloc : memref<!tpu.dma_semaphore, #tpu.memory_space<semaphore_mem>>
      %dma_start3A_36 = arith.constant 0 : i32
      %dma_start3A_37 = tpu.memref_slice %arg4[%mul3A_9, %dma_start3A_36] : memref<5120x64xi32, #tpu.memory_space<hbm>> -> memref<160x64xi32, #tpu.memory_space<hbm>>
      %dma_start3A_38 = arith.constant 0 : i32
      %dma_start3A_39 = tpu.memref_slice %arg4[%mul3A_9, %dma_start3A_38] : memref<5120x64xi32, #tpu.memory_space<hbm>> -> memref<160x64xi32, #tpu.memory_space<hbm>>
      tpu.enqueue_dma source(%dma_start3A_39 : memref<160x64xi32, #tpu.memory_space<hbm>>) target(%arg10 : memref<160x64xi32, #tpu.memory_space<vmem>>) target_semaphore(%run_scoped3A : memref<!tpu.dma_semaphore, #tpu.memory_space<semaphore_mem>>)
      %dma_wait3A_40 = arith.constant 0 : i32
      %dma_wait3A_41 = tpu.memref_slice %arg4[%mul3A_9, %dma_wait3A_40] : memref<5120x64xi32, #tpu.memory_space<hbm>> -> memref<160x64xi32, #tpu.memory_space<hbm>>
      %dma_wait3A_42 = arith.constant 0 : i32
      %dma_wait3A_43 = tpu.memref_slice %arg4[%mul3A_9, %dma_wait3A_42] : memref<5120x64xi32, #tpu.memory_space<hbm>> -> memref<160x64xi32, #tpu.memory_space<hbm>>
      tpu.wait_dma2 semaphore(%run_scoped3A : memref<!tpu.dma_semaphore, #tpu.memory_space<semaphore_mem>>) src(%dma_wait3A_43 : memref<160x64xi32, #tpu.memory_space<hbm>>) dst(%arg10 : memref<160x64xi32, #tpu.memory_space<vmem>>)
      tpu.yield
    }) : () -> ()
    %barrier3A = arith.constant 0 : index
    tpu.barrier barrier_id(%barrier3A)
    %dma_start3A = arith.constant 0 : i32
    %dma_start3A_10 = arith.constant 0 : i32
    %dma_start3A_11 = tpu.memref_slice %arg9[%dma_start3A, %dma_start3A_10] : memref<160x64xi32, #tpu.memory_space<vmem>> -> memref<1x64xi32, #tpu.memory_space<vmem>>
    %dma_start3A_12 = tpu.memref_squeeze %dma_start3A_11 : memref<1x64xi32, #tpu.memory_space<vmem>> -> memref<64xi32, #tpu.memory_space<vmem>>
    %dma_start3A_13 = arith.constant 0 : i32
    %dma_start3A_14 = arith.constant 0 : i32
    %dma_start3A_15 = tpu.memref_slice %arg2[%dma_start3A_13, %dma_start3A_14] : memref<10000x128xf32, #tpu.memory_space<hbm>> -> memref<10000x128xf32, #tpu.memory_space<hbm>>
    tpu.enqueue_indirect_dma source(%dma_start3A_15 : memref<10000x128xf32, #tpu.memory_space<hbm>>) target(%arg11 : memref<64x128xf32, #tpu.memory_space<vmem>>) offsets(%dma_start3A_12 : memref<64xi32, #tpu.memory_space<vmem>>) semaphore(%arg16 : memref<!tpu.dma_semaphore, #tpu.memory_space<semaphore_mem>>)
    %scan3A_16 = arith.constant 0 : i32
    %scan3A_17 = arith.constant 0 : i32
    %scan3A_18 = arith.constant 80 : i32
    %scan3A_19 = arith.addi %scan3A_17, %scan3A_18 : i32
    %scan3A_20 = arith.constant 1 : i32
    scf.for %scan3A_36 = %scan3A_17 to %scan3A_19 step %scan3A_20  : i32 {
      %mul3A_37 = arith.constant 2 : i32
      %mul3A_38 = arith.muli %mul3A_37, %scan3A_36 : i32
      %add3A_39 = arith.constant 0 : i32
      %add3A_40 = arith.addi %mul3A_38, %add3A_39 : i32
      %gt3A = arith.constant 0 : i32
      %gt3A_41 = arith.cmpi sgt, %add3A_40, %gt3A : i32
      %convert_element_type3A = arith.extui %gt3A_41 : i1 to i32
      %cond3A = arith.constant 0 : i32
      %cond3A_42 = arith.cmpi ne, %convert_element_type3A, %cond3A : i32
      scf.if %cond3A_42 {
        %sub3A = arith.constant 1 : i32
        %sub3A_101 = arith.subi %add3A_40, %sub3A : i32
        %dma_wait3A_102 = arith.constant 0 : i32
        %dma_wait3A_103 = tpu.memref_slice %arg10[%sub3A_101, %dma_wait3A_102] : memref<160x64xi32, #tpu.memory_space<vmem>> -> memref<1x64xi32, #tpu.memory_space<vmem>>
        %dma_wait3A_104 = tpu.memref_squeeze %dma_wait3A_103 : memref<1x64xi32, #tpu.memory_space<vmem>> -> memref<64xi32, #tpu.memory_space<vmem>>
        %dma_wait3A_105 = arith.constant 0 : i32
        %dma_wait3A_106 = arith.constant 0 : i32
        %dma_wait3A_107 = tpu.memref_slice %arg14[%dma_wait3A_105, %dma_wait3A_106] : memref<10112x128xf32, #tpu.memory_space<vmem_shared>> -> memref<10112x128xf32, #tpu.memory_space<vmem_shared>>
        tpu.wait_indirect_dma semaphore(%arg19 : memref<!tpu.dma_semaphore, #tpu.memory_space<semaphore_mem>>) src(%arg12 : memref<64x128xf32, #tpu.memory_space<vmem>>) dst(%dma_wait3A_107 : memref<10112x128xf32, #tpu.memory_space<vmem_shared>>)
        %dma_wait3A_108 = arith.constant 0 : i32
        %dma_wait3A_109 = tpu.memref_slice %arg10[%sub3A_101, %dma_wait3A_108] : memref<160x64xi32, #tpu.memory_space<vmem>> -> memref<1x64xi32, #tpu.memory_space<vmem>>
        %dma_wait3A_110 = tpu.memref_squeeze %dma_wait3A_109 : memref<1x64xi32, #tpu.memory_space<vmem>> -> memref<64xi32, #tpu.memory_space<vmem>>
        %dma_wait3A_111 = arith.constant 0 : i32
        %dma_wait3A_112 = arith.constant 0 : i32
        %dma_wait3A_113 = tpu.memref_slice %arg15[%dma_wait3A_111, %dma_wait3A_112] : memref<10112x16xf32, #tpu.memory_space<vmem_shared>> -> memref<10112x16xf32, #tpu.memory_space<vmem_shared>>
        tpu.wait_indirect_dma semaphore(%arg19 : memref<!tpu.dma_semaphore, #tpu.memory_space<semaphore_mem>>) src(%arg13 : memref<64x16xf32, #tpu.memory_space<vmem>>) dst(%dma_wait3A_113 : memref<10112x16xf32, #tpu.memory_space<vmem_shared>>)
      } else {
      }
      %add3A_43 = arith.constant 1 : i32
      %add3A_44 = arith.addi %add3A_40, %add3A_43 : i32
      %lt3A = arith.constant 160 : i32
      %lt3A_45 = arith.cmpi slt, %add3A_44, %lt3A : i32
      %convert_element_type3A_46 = arith.extui %lt3A_45 : i1 to i32
      %cond3A_47 = arith.constant 0 : i32
      %cond3A_48 = arith.cmpi ne, %convert_element_type3A_46, %cond3A_47 : i32
      scf.if %cond3A_48 {
        %add3A_101 = arith.constant 1 : i32
        %add3A_102 = arith.addi %add3A_40, %add3A_101 : i32
        %dma_start3A_103 = arith.constant 0 : i32
        %dma_start3A_104 = tpu.memref_slice %arg9[%add3A_102, %dma_start3A_103] : memref<160x64xi32, #tpu.memory_space<vmem>> -> memref<1x64xi32, #tpu.memory_space<vmem>>
        %dma_start3A_105 = tpu.memref_squeeze %dma_start3A_104 : memref<1x64xi32, #tpu.memory_space<vmem>> -> memref<64xi32, #tpu.memory_space<vmem>>
        %dma_start3A_106 = arith.constant 0 : i32
        %dma_start3A_107 = arith.constant 0 : i32
        %dma_start3A_108 = tpu.memref_slice %arg2[%dma_start3A_106, %dma_start3A_107] : memref<10000x128xf32, #tpu.memory_space<hbm>> -> memref<10000x128xf32, #tpu.memory_space<hbm>>
        tpu.enqueue_indirect_dma source(%dma_start3A_108 : memref<10000x128xf32, #tpu.memory_space<hbm>>) target(%arg12 : memref<64x128xf32, #tpu.memory_space<vmem>>) offsets(%dma_start3A_105 : memref<64xi32, #tpu.memory_space<vmem>>) semaphore(%arg17 : memref<!tpu.dma_semaphore, #tpu.memory_space<semaphore_mem>>)
      } else {
      }
      %dma_wait3A_49 = arith.constant 0 : i32
      %dma_wait3A_50 = tpu.memref_slice %arg9[%add3A_40, %dma_wait3A_49] : memref<160x64xi32, #tpu.memory_space<vmem>> -> memref<1x64xi32, #tpu.memory_space<vmem>>
      %dma_wait3A_51 = tpu.memref_squeeze %dma_wait3A_50 : memref<1x64xi32, #tpu.memory_space<vmem>> -> memref<64xi32, #tpu.memory_space<vmem>>
      %dma_wait3A_52 = arith.constant 0 : i32
      %dma_wait3A_53 = arith.constant 0 : i32
      %dma_wait3A_54 = tpu.memref_slice %arg2[%dma_wait3A_52, %dma_wait3A_53] : memref<10000x128xf32, #tpu.memory_space<hbm>> -> memref<10000x128xf32, #tpu.memory_space<hbm>>
      tpu.wait_indirect_dma semaphore(%arg16 : memref<!tpu.dma_semaphore, #tpu.memory_space<semaphore_mem>>) src(%dma_wait3A_54 : memref<10000x128xf32, #tpu.memory_space<hbm>>) dst(%arg11 : memref<64x128xf32, #tpu.memory_space<vmem>>)
      %dma_start3A_55 = arith.constant 0 : i32
      %dma_start3A_56 = tpu.memref_slice %arg10[%add3A_40, %dma_start3A_55] : memref<160x64xi32, #tpu.memory_space<vmem>> -> memref<1x64xi32, #tpu.memory_space<vmem>>
      %dma_start3A_57 = tpu.memref_squeeze %dma_start3A_56 : memref<1x64xi32, #tpu.memory_space<vmem>> -> memref<64xi32, #tpu.memory_space<vmem>>
      %dma_start3A_58 = arith.constant 0 : i32
      %dma_start3A_59 = arith.constant 0 : i32
      %dma_start3A_60 = tpu.memref_slice %arg14[%dma_start3A_58, %dma_start3A_59] : memref<10112x128xf32, #tpu.memory_space<vmem_shared>> -> memref<10112x128xf32, #tpu.memory_space<vmem_shared>>
      tpu.enqueue_indirect_dma source(%arg11 : memref<64x128xf32, #tpu.memory_space<vmem>>) target(%dma_start3A_60 : memref<10112x128xf32, #tpu.memory_space<vmem_shared>>) offsets(%dma_start3A_57 : memref<64xi32, #tpu.memory_space<vmem>>) semaphore(%arg18 : memref<!tpu.dma_semaphore, #tpu.memory_space<semaphore_mem>>) {add = true}
      %dma_start3A_61 = arith.constant 0 : i32
      %dma_start3A_62 = tpu.memref_slice %arg10[%add3A_40, %dma_start3A_61] : memref<160x64xi32, #tpu.memory_space<vmem>> -> memref<1x64xi32, #tpu.memory_space<vmem>>
      %dma_start3A_63 = tpu.memref_squeeze %dma_start3A_62 : memref<1x64xi32, #tpu.memory_space<vmem>> -> memref<64xi32, #tpu.memory_space<vmem>>
      %dma_start3A_64 = arith.constant 0 : i32
      %dma_start3A_65 = arith.constant 0 : i32
      %dma_start3A_66 = tpu.memref_slice %arg15[%dma_start3A_64, %dma_start3A_65] : memref<10112x16xf32, #tpu.memory_space<vmem_shared>> -> memref<10112x16xf32, #tpu.memory_space<vmem_shared>>
      tpu.enqueue_indirect_dma source(%arg13 : memref<64x16xf32, #tpu.memory_space<vmem>>) target(%dma_start3A_66 : memref<10112x16xf32, #tpu.memory_space<vmem_shared>>) offsets(%dma_start3A_63 : memref<64xi32, #tpu.memory_space<vmem>>) semaphore(%arg18 : memref<!tpu.dma_semaphore, #tpu.memory_space<semaphore_mem>>) {add = true}
      %mul3A_67 = arith.constant 2 : i32
      %mul3A_68 = arith.muli %mul3A_67, %scan3A_36 : i32
      %add3A_69 = arith.constant 1 : i32
      %add3A_70 = arith.addi %mul3A_68, %add3A_69 : i32
      %gt3A_71 = arith.constant 0 : i32
      %gt3A_72 = arith.cmpi sgt, %add3A_70, %gt3A_71 : i32
      %convert_element_type3A_73 = arith.extui %gt3A_72 : i1 to i32
      %cond3A_74 = arith.constant 0 : i32
      %cond3A_75 = arith.cmpi ne, %convert_element_type3A_73, %cond3A_74 : i32
      scf.if %cond3A_75 {
        %sub3A = arith.constant 1 : i32
        %sub3A_101 = arith.subi %add3A_70, %sub3A : i32
        %dma_wait3A_102 = arith.constant 0 : i32
        %dma_wait3A_103 = tpu.memref_slice %arg10[%sub3A_101, %dma_wait3A_102] : memref<160x64xi32, #tpu.memory_space<vmem>> -> memref<1x64xi32, #tpu.memory_space<vmem>>
        %dma_wait3A_104 = tpu.memref_squeeze %dma_wait3A_103 : memref<1x64xi32, #tpu.memory_space<vmem>> -> memref<64xi32, #tpu.memory_space<vmem>>
        %dma_wait3A_105 = arith.constant 0 : i32
        %dma_wait3A_106 = arith.constant 0 : i32
        %dma_wait3A_107 = tpu.memref_slice %arg14[%dma_wait3A_105, %dma_wait3A_106] : memref<10112x128xf32, #tpu.memory_space<vmem_shared>> -> memref<10112x128xf32, #tpu.memory_space<vmem_shared>>
        tpu.wait_indirect_dma semaphore(%arg18 : memref<!tpu.dma_semaphore, #tpu.memory_space<semaphore_mem>>) src(%arg11 : memref<64x128xf32, #tpu.memory_space<vmem>>) dst(%dma_wait3A_107 : memref<10112x128xf32, #tpu.memory_space<vmem_shared>>)
        %dma_wait3A_108 = arith.constant 0 : i32
        %dma_wait3A_109 = tpu.memref_slice %arg10[%sub3A_101, %dma_wait3A_108] : memref<160x64xi32, #tpu.memory_space<vmem>> -> memref<1x64xi32, #tpu.memory_space<vmem>>
        %dma_wait3A_110 = tpu.memref_squeeze %dma_wait3A_109 : memref<1x64xi32, #tpu.memory_space<vmem>> -> memref<64xi32, #tpu.memory_space<vmem>>
        %dma_wait3A_111 = arith.constant 0 : i32
        %dma_wait3A_112 = arith.constant 0 : i32
        %dma_wait3A_113 = tpu.memref_slice %arg15[%dma_wait3A_111, %dma_wait3A_112] : memref<10112x16xf32, #tpu.memory_space<vmem_shared>> -> memref<10112x16xf32, #tpu.memory_space<vmem_shared>>
        tpu.wait_indirect_dma semaphore(%arg18 : memref<!tpu.dma_semaphore, #tpu.memory_space<semaphore_mem>>) src(%arg13 : memref<64x16xf32, #tpu.memory_space<vmem>>) dst(%dma_wait3A_113 : memref<10112x16xf32, #tpu.memory_space<vmem_shared>>)
      } else {
      }
      %add3A_76 = arith.constant 1 : i32
      %add3A_77 = arith.addi %add3A_70, %add3A_76 : i32
      %lt3A_78 = arith.constant 160 : i32
      %lt3A_79 = arith.cmpi slt, %add3A_77, %lt3A_78 : i32
      %convert_element_type3A_80 = arith.extui %lt3A_79 : i1 to i32
      %cond3A_81 = arith.constant 0 : i32
      %cond3A_82 = arith.cmpi ne, %convert_element_type3A_80, %cond3A_81 : i32
      scf.if %cond3A_82 {
        %add3A_101 = arith.constant 1 : i32
        %add3A_102 = arith.addi %add3A_70, %add3A_101 : i32
        %dma_start3A_103 = arith.constant 0 : i32
        %dma_start3A_104 = tpu.memref_slice %arg9[%add3A_102, %dma_start3A_103] : memref<160x64xi32, #tpu.memory_space<vmem>> -> memref<1x64xi32, #tpu.memory_space<vmem>>
        %dma_start3A_105 = tpu.memref_squeeze %dma_start3A_104 : memref<1x64xi32, #tpu.memory_space<vmem>> -> memref<64xi32, #tpu.memory_space<vmem>>
        %dma_start3A_106 = arith.constant 0 : i32
        %dma_start3A_107 = arith.constant 0 : i32
        %dma_start3A_108 = tpu.memref_slice %arg2[%dma_start3A_106, %dma_start3A_107] : memref<10000x128xf32, #tpu.memory_space<hbm>> -> memref<10000x128xf32, #tpu.memory_space<hbm>>
        tpu.enqueue_indirect_dma source(%dma_start3A_108 : memref<10000x128xf32, #tpu.memory_space<hbm>>) target(%arg11 : memref<64x128xf32, #tpu.memory_space<vmem>>) offsets(%dma_start3A_105 : memref<64xi32, #tpu.memory_space<vmem>>) semaphore(%arg16 : memref<!tpu.dma_semaphore, #tpu.memory_space<semaphore_mem>>)
      } else {
      }
      %dma_wait3A_83 = arith.constant 0 : i32
      %dma_wait3A_84 = tpu.memref_slice %arg9[%add3A_70, %dma_wait3A_83] : memref<160x64xi32, #tpu.memory_space<vmem>> -> memref<1x64xi32, #tpu.memory_space<vmem>>
      %dma_wait3A_85 = tpu.memref_squeeze %dma_wait3A_84 : memref<1x64xi32, #tpu.memory_space<vmem>> -> memref<64xi32, #tpu.memory_space<vmem>>
      %dma_wait3A_86 = arith.constant 0 : i32
      %dma_wait3A_87 = arith.constant 0 : i32
      %dma_wait3A_88 = tpu.memref_slice %arg2[%dma_wait3A_86, %dma_wait3A_87] : memref<10000x128xf32, #tpu.memory_space<hbm>> -> memref<10000x128xf32, #tpu.memory_space<hbm>>
      tpu.wait_indirect_dma semaphore(%arg17 : memref<!tpu.dma_semaphore, #tpu.memory_space<semaphore_mem>>) src(%dma_wait3A_88 : memref<10000x128xf32, #tpu.memory_space<hbm>>) dst(%arg12 : memref<64x128xf32, #tpu.memory_space<vmem>>)
      %dma_start3A_89 = arith.constant 0 : i32
      %dma_start3A_90 = tpu.memref_slice %arg10[%add3A_70, %dma_start3A_89] : memref<160x64xi32, #tpu.memory_space<vmem>> -> memref<1x64xi32, #tpu.memory_space<vmem>>
      %dma_start3A_91 = tpu.memref_squeeze %dma_start3A_90 : memref<1x64xi32, #tpu.memory_space<vmem>> -> memref<64xi32, #tpu.memory_space<vmem>>
      %dma_start3A_92 = arith.constant 0 : i32
      %dma_start3A_93 = arith.constant 0 : i32
      %dma_start3A_94 = tpu.memref_slice %arg14[%dma_start3A_92, %dma_start3A_93] : memref<10112x128xf32, #tpu.memory_space<vmem_shared>> -> memref<10112x128xf32, #tpu.memory_space<vmem_shared>>
      tpu.enqueue_indirect_dma source(%arg12 : memref<64x128xf32, #tpu.memory_space<vmem>>) target(%dma_start3A_94 : memref<10112x128xf32, #tpu.memory_space<vmem_shared>>) offsets(%dma_start3A_91 : memref<64xi32, #tpu.memory_space<vmem>>) semaphore(%arg19 : memref<!tpu.dma_semaphore, #tpu.memory_space<semaphore_mem>>) {add = true}
      %dma_start3A_95 = arith.constant 0 : i32
      %dma_start3A_96 = tpu.memref_slice %arg10[%add3A_70, %dma_start3A_95] : memref<160x64xi32, #tpu.memory_space<vmem>> -> memref<1x64xi32, #tpu.memory_space<vmem>>
      %dma_start3A_97 = tpu.memref_squeeze %dma_start3A_96 : memref<1x64xi32, #tpu.memory_space<vmem>> -> memref<64xi32, #tpu.memory_space<vmem>>
      %dma_start3A_98 = arith.constant 0 : i32
      %dma_start3A_99 = arith.constant 0 : i32
      %dma_start3A_100 = tpu.memref_slice %arg15[%dma_start3A_98, %dma_start3A_99] : memref<10112x16xf32, #tpu.memory_space<vmem_shared>> -> memref<10112x16xf32, #tpu.memory_space<vmem_shared>>
      tpu.enqueue_indirect_dma source(%arg13 : memref<64x16xf32, #tpu.memory_space<vmem>>) target(%dma_start3A_100 : memref<10112x16xf32, #tpu.memory_space<vmem_shared>>) offsets(%dma_start3A_97 : memref<64xi32, #tpu.memory_space<vmem>>) semaphore(%arg19 : memref<!tpu.dma_semaphore, #tpu.memory_space<semaphore_mem>>) {add = true}
    }
    %scan3A_21 = arith.constant 80 : i32
    %dma_wait3A = arith.constant 159 : i32
    %dma_wait3A_22 = arith.constant 0 : i32
    %dma_wait3A_23 = tpu.memref_slice %arg10[%dma_wait3A, %dma_wait3A_22] : memref<160x64xi32, #tpu.memory_space<vmem>> -> memref<1x64xi32, #tpu.memory_space<vmem>>
    %dma_wait3A_24 = tpu.memref_squeeze %dma_wait3A_23 : memref<1x64xi32, #tpu.memory_space<vmem>> -> memref<64xi32, #tpu.memory_space<vmem>>
    %dma_wait3A_25 = arith.constant 0 : i32
    %dma_wait3A_26 = arith.constant 0 : i32
    %dma_wait3A_27 = tpu.memref_slice %arg14[%dma_wait3A_25, %dma_wait3A_26] : memref<10112x128xf32, #tpu.memory_space<vmem_shared>> -> memref<10112x128xf32, #tpu.memory_space<vmem_shared>>
    tpu.wait_indirect_dma semaphore(%arg19 : memref<!tpu.dma_semaphore, #tpu.memory_space<semaphore_mem>>) src(%arg12 : memref<64x128xf32, #tpu.memory_space<vmem>>) dst(%dma_wait3A_27 : memref<10112x128xf32, #tpu.memory_space<vmem_shared>>)
    %dma_wait3A_28 = arith.constant 159 : i32
    %dma_wait3A_29 = arith.constant 0 : i32
    %dma_wait3A_30 = tpu.memref_slice %arg10[%dma_wait3A_28, %dma_wait3A_29] : memref<160x64xi32, #tpu.memory_space<vmem>> -> memref<1x64xi32, #tpu.memory_space<vmem>>
    %dma_wait3A_31 = tpu.memref_squeeze %dma_wait3A_30 : memref<1x64xi32, #tpu.memory_space<vmem>> -> memref<64xi32, #tpu.memory_space<vmem>>
    %dma_wait3A_32 = arith.constant 0 : i32
    %dma_wait3A_33 = arith.constant 0 : i32
    %dma_wait3A_34 = tpu.memref_slice %arg15[%dma_wait3A_32, %dma_wait3A_33] : memref<10112x16xf32, #tpu.memory_space<vmem_shared>> -> memref<10112x16xf32, #tpu.memory_space<vmem_shared>>
    tpu.wait_indirect_dma semaphore(%arg19 : memref<!tpu.dma_semaphore, #tpu.memory_space<semaphore_mem>>) src(%arg13 : memref<64x16xf32, #tpu.memory_space<vmem>>) dst(%dma_wait3A_34 : memref<10112x16xf32, #tpu.memory_space<vmem_shared>>)
    %barrier3A_35 = arith.constant 0 : index
    tpu.barrier barrier_id(%barrier3A_35)
    "tpu.region"() ({
      %run_scoped3A = tpu.sem_alloc : memref<!tpu.dma_semaphore, #tpu.memory_space<semaphore_mem>>
      %dma_start3A_36 = arith.constant 0 : i32
      %dma_start3A_37 = tpu.memref_slice %arg7[%arg0, %mul3A_7, %dma_start3A_36] : memref<2x10112x128xf32, #tpu.memory_space<hbm>> -> memref<1x632x128xf32, #tpu.memory_space<hbm>>
      %dma_start3A_38 = tpu.memref_squeeze %dma_start3A_37 : memref<1x632x128xf32, #tpu.memory_space<hbm>> -> memref<632x128xf32, #tpu.memory_space<hbm>>
      %dma_start3A_39 = arith.constant 0 : i32
      %dma_start3A_40 = tpu.memref_slice %arg14[%mul3A_7, %dma_start3A_39] : memref<10112x128xf32, #tpu.memory_space<vmem_shared>> -> memref<632x128xf32, #tpu.memory_space<vmem_shared>>
      tpu.enqueue_dma source(%dma_start3A_40 : memref<632x128xf32, #tpu.memory_space<vmem_shared>>) target(%dma_start3A_38 : memref<632x128xf32, #tpu.memory_space<hbm>>) target_semaphore(%run_scoped3A : memref<!tpu.dma_semaphore, #tpu.memory_space<semaphore_mem>>)
      %dma_wait3A_41 = arith.constant 0 : i32
      %dma_wait3A_42 = tpu.memref_slice %arg7[%arg0, %mul3A_7, %dma_wait3A_41] : memref<2x10112x128xf32, #tpu.memory_space<hbm>> -> memref<1x632x128xf32, #tpu.memory_space<hbm>>
      %dma_wait3A_43 = tpu.memref_squeeze %dma_wait3A_42 : memref<1x632x128xf32, #tpu.memory_space<hbm>> -> memref<632x128xf32, #tpu.memory_space<hbm>>
      %dma_wait3A_44 = arith.constant 0 : i32
      %dma_wait3A_45 = tpu.memref_slice %arg14[%mul3A_7, %dma_wait3A_44] : memref<10112x128xf32, #tpu.memory_space<vmem_shared>> -> memref<632x128xf32, #tpu.memory_space<vmem_shared>>
      tpu.wait_dma2 semaphore(%run_scoped3A : memref<!tpu.dma_semaphore, #tpu.memory_space<semaphore_mem>>) src(%dma_wait3A_45 : memref<632x128xf32, #tpu.memory_space<vmem_shared>>) dst(%dma_wait3A_43 : memref<632x128xf32, #tpu.memory_space<hbm>>)
      tpu.yield
    }) : () -> ()
    "tpu.region"() ({
      %run_scoped3A = tpu.sem_alloc : memref<!tpu.dma_semaphore, #tpu.memory_space<semaphore_mem>>
      %dma_start3A_36 = arith.constant 0 : i32
      %dma_start3A_37 = tpu.memref_slice %arg8[%arg0, %mul3A_7, %dma_start3A_36] : memref<2x10112x16xf32, #tpu.memory_space<hbm>> -> memref<1x632x16xf32, #tpu.memory_space<hbm>>
      %dma_start3A_38 = tpu.memref_squeeze %dma_start3A_37 : memref<1x632x16xf32, #tpu.memory_space<hbm>> -> memref<632x16xf32, #tpu.memory_space<hbm>>
      %dma_start3A_39 = arith.constant 0 : i32
      %dma_start3A_40 = tpu.memref_slice %arg15[%mul3A_7, %dma_start3A_39] : memref<10112x16xf32, #tpu.memory_space<vmem_shared>> -> memref<632x16xf32, #tpu.memory_space<vmem_shared>>
      tpu.enqueue_dma source(%dma_start3A_40 : memref<632x16xf32, #tpu.memory_space<vmem_shared>>) target(%dma_start3A_38 : memref<632x16xf32, #tpu.memory_space<hbm>>) target_semaphore(%run_scoped3A : memref<!tpu.dma_semaphore, #tpu.memory_space<semaphore_mem>>)
      %dma_wait3A_41 = arith.constant 0 : i32
      %dma_wait3A_42 = tpu.memref_slice %arg8[%arg0, %mul3A_7, %dma_wait3A_41] : memref<2x10112x16xf32, #tpu.memory_space<hbm>> -> memref<1x632x16xf32, #tpu.memory_space<hbm>>
      %dma_wait3A_43 = tpu.memref_squeeze %dma_wait3A_42 : memref<1x632x16xf32, #tpu.memory_space<hbm>> -> memref<632x16xf32, #tpu.memory_space<hbm>>
      %dma_wait3A_44 = arith.constant 0 : i32
      %dma_wait3A_45 = tpu.memref_slice %arg15[%mul3A_7, %dma_wait3A_44] : memref<10112x16xf32, #tpu.memory_space<vmem_shared>> -> memref<632x16xf32, #tpu.memory_space<vmem_shared>>
      tpu.wait_dma2 semaphore(%run_scoped3A : memref<!tpu.dma_semaphore, #tpu.memory_space<semaphore_mem>>) src(%dma_wait3A_45 : memref<632x16xf32, #tpu.memory_space<vmem_shared>>) dst(%dma_wait3A_43 : memref<632x16xf32, #tpu.memory_space<hbm>>)
      tpu.yield
    }) : () -> ()
    return
  }
}

module attributes {stable_mosaic.version = 14 : i64} {
  func.func @_ln_body(%arg0: i32, %arg1: memref<1000x128xf32, #tpu.memory_space<vmem>>, %arg2: memref<8x128xf32, #tpu.memory_space<vmem>>, %arg3: memref<8x128xf32, #tpu.memory_space<vmem>>, %arg4: memref<1000x128xf32, #tpu.memory_space<vmem>>) attributes {dimension_semantics = [#tpu.dimension_semantics<arbitrary>], iteration_bounds = array<i64: 10>, scalar_prefetch = 0 : i64, scratch_operands = 0 : i64, tpu.core_type = #tpu.core_type<tc>, window_params = [{transform_indices = @transform_0, window_bounds = array<i64: 1000, 128>}, {pipeline_mode = #tpu.pipeline_mode<synchronous>, transform_indices = @transform_1, window_bounds = array<i64: 8, 128>}, {pipeline_mode = #tpu.pipeline_mode<synchronous>, transform_indices = @transform_2, window_bounds = array<i64: 8, 128>}, {transform_indices = @transform_3, window_bounds = array<i64: 1000, 128>}]} {
    %get3A = arith.constant 0 : index
    %get3A_0 = arith.constant 0 : index
    %get3A_1 = vector.load %arg1[%get3A, %get3A_0] : memref<1000x128xf32, #tpu.memory_space<vmem>>, vector<1000x128xf32>
    %reduce_sum3A = arith.constant dense<0.000000e+00> : vector<1000xf32>
    %reduce_sum3A_2 = vector.multi_reduction <add>, %get3A_1, %reduce_sum3A [1] : vector<1000x128xf32> to vector<1000xf32>
    %broadcast_in_dim3A = vector.shape_cast %reduce_sum3A_2 : vector<1000xf32> to vector<1000x1xf32>
    %div3A = arith.constant 1.280000e+02 : f32
    %div3A_3 = vector.broadcast %div3A : f32 to vector<1000x1xf32>
    %div3A_4 = arith.divf %broadcast_in_dim3A, %div3A_3 : vector<1000x1xf32>
    %sub3A = vector.broadcast %div3A_4 : vector<1000x1xf32> to vector<1000x128xf32>
    %sub3A_5 = arith.subf %get3A_1, %sub3A : vector<1000x128xf32>
    %mul3A = arith.mulf %sub3A_5, %sub3A_5 : vector<1000x128xf32>
    %reduce_sum3A_6 = arith.constant dense<0.000000e+00> : vector<1000xf32>
    %reduce_sum3A_7 = vector.multi_reduction <add>, %mul3A, %reduce_sum3A_6 [1] : vector<1000x128xf32> to vector<1000xf32>
    %broadcast_in_dim3A_8 = vector.shape_cast %reduce_sum3A_7 : vector<1000xf32> to vector<1000x1xf32>
    %div3A_9 = arith.constant 1.280000e+02 : f32
    %div3A_10 = vector.broadcast %div3A_9 : f32 to vector<1000x1xf32>
    %div3A_11 = arith.divf %broadcast_in_dim3A_8, %div3A_10 : vector<1000x1xf32>
    %add3A = arith.constant 9.99999974E-6 : f32
    %add3A_12 = vector.broadcast %add3A : f32 to vector<1000x1xf32>
    %add3A_13 = arith.addf %div3A_11, %add3A_12 : vector<1000x1xf32>
    %rsqrt3A = math.rsqrt %add3A_13 : vector<1000x1xf32>
    %mul3A_14 = vector.broadcast %rsqrt3A : vector<1000x1xf32> to vector<1000x128xf32>
    %mul3A_15 = arith.mulf %sub3A_5, %mul3A_14 : vector<1000x128xf32>
    %get3A_16 = arith.constant 0 : index
    %get3A_17 = arith.constant 0 : index
    %get3A_18 = vector.load %arg2[%get3A_16, %get3A_17] : memref<8x128xf32, #tpu.memory_space<vmem>>, vector<1x128xf32>
    %mul3A_19 = vector.broadcast %get3A_18 : vector<1x128xf32> to vector<1000x128xf32>
    %mul3A_20 = arith.mulf %mul3A_15, %mul3A_19 : vector<1000x128xf32>
    %get3A_21 = arith.constant 0 : index
    %get3A_22 = arith.constant 0 : index
    %get3A_23 = vector.load %arg3[%get3A_21, %get3A_22] : memref<8x128xf32, #tpu.memory_space<vmem>>, vector<1x128xf32>
    %add3A_24 = vector.broadcast %get3A_23 : vector<1x128xf32> to vector<1000x128xf32>
    %add3A_25 = arith.addf %mul3A_20, %add3A_24 : vector<1000x128xf32>
    %max3A = arith.constant 0.000000e+00 : f32
    %max3A_26 = vector.broadcast %max3A : f32 to vector<1000x128xf32>
    %max3A_27 = arith.maximumf %add3A_25, %max3A_26 : vector<1000x128xf32>
    %swap3A = arith.constant 0 : index
    %swap3A_28 = arith.constant 0 : index
    %swap3A_29 = vector.load %arg4[%swap3A, %swap3A_28] : memref<1000x128xf32, #tpu.memory_space<vmem>>, vector<1000x128xf32>
    tpu.vector_store %arg4[%swap3A, %swap3A_28], %max3A_27 {strides = array<i32>} : memref<1000x128xf32, #tpu.memory_space<vmem>>, vector<1000x128xf32>,
    return
  }
  func.func @transform_0(%arg0: i32) -> (i32, i32) {
    %c0_i32 = arith.constant 0 : i32
    %c0_i32_0 = arith.constant 0 : i32
    return %arg0, %c0_i32 : i32, i32
  }
  func.func @transform_1(%arg0: i32) -> (i32, i32) {
    %c0_i32 = arith.constant 0 : i32
    %c0_i32_0 = arith.constant 0 : i32
    %c0_i32_1 = arith.constant 0 : i32
    return %c0_i32, %c0_i32_0 : i32, i32
  }
  func.func @transform_2(%arg0: i32) -> (i32, i32) {
    %c0_i32 = arith.constant 0 : i32
    %c0_i32_0 = arith.constant 0 : i32
    %c0_i32_1 = arith.constant 0 : i32
    return %c0_i32, %c0_i32_0 : i32, i32
  }
  func.func @transform_3(%arg0: i32) -> (i32, i32) {
    %c0_i32 = arith.constant 0 : i32
    %c0_i32_0 = arith.constant 0 : i32
    return %arg0, %c0_i32 : i32, i32
  }
}

module attributes {stable_mosaic.version = 14 : i64} {
  func.func @_self_body(%arg0: i32, %arg1: memref<1000x128xf32, #tpu.memory_space<vmem>>, %arg2: memref<128x128xf32, #tpu.memory_space<vmem>>, %arg3: memref<8x128xf32, #tpu.memory_space<vmem>>, %arg4: memref<1000x128xf32, #tpu.memory_space<vmem>>) attributes {dimension_semantics = [#tpu.dimension_semantics<arbitrary>], iteration_bounds = array<i64: 10>, scalar_prefetch = 0 : i64, scratch_operands = 0 : i64, tpu.core_type = #tpu.core_type<tc>, window_params = [{transform_indices = @transform_0, window_bounds = array<i64: 1000, 128>}, {pipeline_mode = #tpu.pipeline_mode<synchronous>, transform_indices = @transform_1, window_bounds = array<i64: 128, 128>}, {pipeline_mode = #tpu.pipeline_mode<synchronous>, transform_indices = @transform_2, window_bounds = array<i64: 8, 128>}, {transform_indices = @transform_3, window_bounds = array<i64: 1000, 128>}]} {
    %get3A = arith.constant 0 : index
    %get3A_0 = arith.constant 0 : index
    %get3A_1 = vector.load %arg1[%get3A, %get3A_0] : memref<1000x128xf32, #tpu.memory_space<vmem>>, vector<1000x128xf32>
    %get3A_2 = arith.constant 0 : index
    %get3A_3 = arith.constant 0 : index
    %get3A_4 = vector.load %arg2[%get3A_2, %get3A_3] : memref<128x128xf32, #tpu.memory_space<vmem>>, vector<128x128xf32>
    %dot_general3A = arith.constant dense<0.000000e+00> : vector<1000x128xf32>
    %dot_general3A_5 = tpu.matmul %get3A_1, %get3A_4, %dot_general3A {dimension_numbers = #tpu.dot_dimension_numbers<[1], [0], [0], [1], [0, 0, 1, 1], [], []>, transpose_lhs_hint = false} : vector<1000x128xf32>, vector<128x128xf32>, vector<1000x128xf32> -> vector<1000x128xf32>
    %get3A_6 = arith.constant 0 : index
    %get3A_7 = arith.constant 0 : index
    %get3A_8 = vector.load %arg3[%get3A_6, %get3A_7] : memref<8x128xf32, #tpu.memory_space<vmem>>, vector<1x128xf32>
    %add3A = vector.broadcast %get3A_8 : vector<1x128xf32> to vector<1000x128xf32>
    %add3A_9 = arith.addf %dot_general3A_5, %add3A : vector<1000x128xf32>
    %swap3A = arith.constant 0 : index
    %swap3A_10 = arith.constant 0 : index
    %swap3A_11 = vector.load %arg4[%swap3A, %swap3A_10] : memref<1000x128xf32, #tpu.memory_space<vmem>>, vector<1000x128xf32>
    tpu.vector_store %arg4[%swap3A, %swap3A_10], %add3A_9 {strides = array<i32>} : memref<1000x128xf32, #tpu.memory_space<vmem>>, vector<1000x128xf32>,
    return
  }
  func.func @transform_0(%arg0: i32) -> (i32, i32) {
    %c0_i32 = arith.constant 0 : i32
    %c0_i32_0 = arith.constant 0 : i32
    return %arg0, %c0_i32 : i32, i32
  }
  func.func @transform_1(%arg0: i32) -> (i32, i32) {
    %c0_i32 = arith.constant 0 : i32
    %c0_i32_0 = arith.constant 0 : i32
    %c0_i32_1 = arith.constant 0 : i32
    return %c0_i32, %c0_i32_0 : i32, i32
  }
  func.func @transform_2(%arg0: i32) -> (i32, i32) {
    %c0_i32 = arith.constant 0 : i32
    %c0_i32_0 = arith.constant 0 : i32
    %c0_i32_1 = arith.constant 0 : i32
    return %c0_i32, %c0_i32_0 : i32, i32
  }
  func.func @transform_3(%arg0: i32) -> (i32, i32) {
    %c0_i32 = arith.constant 0 : i32
    %c0_i32_0 = arith.constant 0 : i32
    return %arg0, %c0_i32 : i32, i32
  }
}

module attributes {stable_mosaic.version = 14 : i64} {
  func.func @_mm_body(%arg0: i32, %arg1: memref<2x1000x128xf32, #tpu.memory_space<vmem>>, %arg2: memref<2x1000x16xf32, #tpu.memory_space<vmem>>, %arg3: memref<1000x128xf32, #tpu.memory_space<vmem>>, %arg4: memref<128x128xf32, #tpu.memory_space<vmem>>, %arg5: memref<1000x128xf32, #tpu.memory_space<vmem>>) attributes {dimension_semantics = [#tpu.dimension_semantics<arbitrary>], iteration_bounds = array<i64: 10>, scalar_prefetch = 0 : i64, scratch_operands = 0 : i64, tpu.core_type = #tpu.core_type<tc>, window_params = [{transform_indices = @transform_0, window_bounds = array<i64: 2, 1000, 128>}, {transform_indices = @transform_1, window_bounds = array<i64: 2, 1000, 16>}, {transform_indices = @transform_2, window_bounds = array<i64: 1000, 128>}, {pipeline_mode = #tpu.pipeline_mode<synchronous>, transform_indices = @transform_3, window_bounds = array<i64: 128, 128>}, {transform_indices = @transform_4, window_bounds = array<i64: 1000, 128>}]} {
    %get3A = arith.constant 0 : index
    %get3A_0 = arith.constant 0 : index
    %get3A_1 = arith.constant 0 : index
    %get3A_2 = vector.load %arg1[%get3A, %get3A_0, %get3A_1] : memref<2x1000x128xf32, #tpu.memory_space<vmem>>, vector<1x1000x128xf32>
    %get3A_3 = vector.shape_cast %get3A_2 : vector<1x1000x128xf32> to vector<1000x128xf32>
    %get3A_4 = arith.constant 1 : index
    %get3A_5 = arith.constant 0 : index
    %get3A_6 = arith.constant 0 : index
    %get3A_7 = vector.load %arg1[%get3A_4, %get3A_5, %get3A_6] : memref<2x1000x128xf32, #tpu.memory_space<vmem>>, vector<1x1000x128xf32>
    %get3A_8 = vector.shape_cast %get3A_7 : vector<1x1000x128xf32> to vector<1000x128xf32>
    %add3A = arith.addf %get3A_3, %get3A_8 : vector<1000x128xf32>
    %get3A_9 = arith.constant 0 : index
    %get3A_10 = arith.constant 0 : index
    %get3A_11 = arith.constant 0 : index
    %get3A_12 = vector.load %arg2[%get3A_9, %get3A_10, %get3A_11] : memref<2x1000x16xf32, #tpu.memory_space<vmem>>, vector<1x1000x16xf32>
    %get3A_13 = vector.shape_cast %get3A_12 : vector<1x1000x16xf32> to vector<1000x16xf32>
    %slice3A = vector.extract_strided_slice %get3A_13 {offsets = [0, 0], sizes = [1000, 1], strides = [1, 1]} : vector<1000x16xf32> to vector<1000x1xf32>
    %get3A_14 = arith.constant 1 : index
    %get3A_15 = arith.constant 0 : index
    %get3A_16 = arith.constant 0 : index
    %get3A_17 = vector.load %arg2[%get3A_14, %get3A_15, %get3A_16] : memref<2x1000x16xf32, #tpu.memory_space<vmem>>, vector<1x1000x16xf32>
    %get3A_18 = vector.shape_cast %get3A_17 : vector<1x1000x16xf32> to vector<1000x16xf32>
    %slice3A_19 = vector.extract_strided_slice %get3A_18 {offsets = [0, 0], sizes = [1000, 1], strides = [1, 1]} : vector<1000x16xf32> to vector<1000x1xf32>
    %add3A_20 = arith.addf %slice3A, %slice3A_19 : vector<1000x1xf32>
    %max3A = arith.constant 1.000000e+00 : f32
    %max3A_21 = vector.broadcast %max3A : f32 to vector<1000x1xf32>
    %max3A_22 = arith.maximumf %add3A_20, %max3A_21 : vector<1000x1xf32>
    %div3A = vector.broadcast %max3A_22 : vector<1000x1xf32> to vector<1000x128xf32>
    %div3A_23 = arith.divf %add3A, %div3A : vector<1000x128xf32>
    %get3A_24 = arith.constant 0 : index
    %get3A_25 = arith.constant 0 : index
    %get3A_26 = vector.load %arg4[%get3A_24, %get3A_25] : memref<128x128xf32, #tpu.memory_space<vmem>>, vector<128x128xf32>
    %dot_general3A = arith.constant dense<0.000000e+00> : vector<1000x128xf32>
    %dot_general3A_27 = tpu.matmul %div3A_23, %get3A_26, %dot_general3A {dimension_numbers = #tpu.dot_dimension_numbers<[1], [0], [0], [1], [0, 0, 1, 1], [], []>, transpose_lhs_hint = false} : vector<1000x128xf32>, vector<128x128xf32>, vector<1000x128xf32> -> vector<1000x128xf32>
    %get3A_28 = arith.constant 0 : index
    %get3A_29 = arith.constant 0 : index
    %get3A_30 = vector.load %arg3[%get3A_28, %get3A_29] : memref<1000x128xf32, #tpu.memory_space<vmem>>, vector<1000x128xf32>
    %add3A_31 = arith.addf %dot_general3A_27, %get3A_30 : vector<1000x128xf32>
    %swap3A = arith.constant 0 : index
    %swap3A_32 = arith.constant 0 : index
    %swap3A_33 = vector.load %arg5[%swap3A, %swap3A_32] : memref<1000x128xf32, #tpu.memory_space<vmem>>, vector<1000x128xf32>
    tpu.vector_store %arg5[%swap3A, %swap3A_32], %add3A_31 {strides = array<i32>} : memref<1000x128xf32, #tpu.memory_space<vmem>>, vector<1000x128xf32>,
    return
  }
  func.func @transform_0(%arg0: i32) -> (i32, i32, i32) {
    %c0_i32 = arith.constant 0 : i32
    %c0_i32_0 = arith.constant 0 : i32
    %c0_i32_1 = arith.constant 0 : i32
    return %c0_i32, %arg0, %c0_i32_0 : i32, i32, i32
  }
  func.func @transform_1(%arg0: i32) -> (i32, i32, i32) {
    %c0_i32 = arith.constant 0 : i32
    %c0_i32_0 = arith.constant 0 : i32
    %c0_i32_1 = arith.constant 0 : i32
    return %c0_i32, %arg0, %c0_i32_0 : i32, i32, i32
  }
  func.func @transform_2(%arg0: i32) -> (i32, i32) {
    %c0_i32 = arith.constant 0 : i32
    %c0_i32_0 = arith.constant 0 : i32
    return %arg0, %c0_i32 : i32, i32
  }
  func.func @transform_3(%arg0: i32) -> (i32, i32) {
    %c0_i32 = arith.constant 0 : i32
    %c0_i32_0 = arith.constant 0 : i32
    %c0_i32_1 = arith.constant 0 : i32
    return %c0_i32, %c0_i32_0 : i32, i32
  }
  func.func @transform_4(%arg0: i32) -> (i32, i32) {
    %c0_i32 = arith.constant 0 : i32
    %c0_i32_0 = arith.constant 0 : i32
    return %arg0, %c0_i32 : i32, i32
  }
}

</mosaic_0001>

<sc_bundles>
// kernel: kernel.6.cloned.1.call-start
scs
__scs_entry_jumppad:
0x0: {  	(pc) =	sbr.rel $0x88, $3  }
0x1: {  	(tag) =	ssettag $0x0;
	lr =	simm.s32 $0x1  }
0x2: {  	[smem:$0x3F9A] =	sst lr;
	_ =	strace $0xD0000000  }
0x3: {  	_ = 	snop  }
0x4: {  	_ = 	snop  }
0x5: {  	_ = 	snop  }
0x6: {  	_ = 	snop  }
0x7: {  	_ = 	snop  }
__scs_overlays_trampoline_lowered:
0x8: {  	[smem:$0x3FA9] =	sst s0  }
0x9: {  	[smem:$0x3FAA] =	sst s1  }
0xa: {  	[smem:$0x3FAB] =	sst s2  }
0xb: {  	[smem:$0x3FAC] =	sst s3  }
0xc: {  	[smem:$0x3FAD] =	sst s4  }
0xd: {  	[smem:$0x3FAE] =	sst s5  }
0xe: {  	[smem:$0x3FAF] =	sst s6  }
0xf: {  	[smem:$0x3FB0] =	sst s7  }
0x10: {  	[smem:$0x3FB1] =	sst s8  }
0x11: {  	[smem:$0x3FB2] =	sst s9;
	s0 =	simm.s32 @!p0 $0x0  }
0x12: {  	s1 =	sld [smem:$0x3F98];
	s0 =	simm.s32 @p0 $0x1  }
0x13: {  	[smem:$0x3FB3] =	sst s0;
	s0 =	simm.s32 @!p1 $0x0  }
0x14: {  	s2 =	sld [smem:$0x3F97];
	s0 =	simm.s32 @p1 $0x1  }
0x15: {  	[smem:$0x3FB4] =	sst s0;
	s0 =	simm.s32 @!p2 $0x0  }
0x16: {  	s3 =	sld [smem:$0x3FDB];
	s0 =	simm.s32 @p2 $0x1  }
0x17: {  	s4 =	simm.s32 $0x1BF5;
	[smem:$0x3FB6] =	sst s0  }
0x18: {  	s0 =	sld [smem:$0x3F99];
	_ =	swait.ge [sflag:s4], $0x0  }
0x19: {  	s7 =	sld [smem:$0x3F9A]  }
0x1a: {  	s8 =	sadd.s32 $0xFFFFE003, lr  }
0x1b: {  	s9 =	sadd.s32 $0xFFFFFEF7, lr;
	s5 =	simm.s32 $0xFFFFFFFF;
	p2 =	slt.u32 s8, $0xFFFFF086  }
0x1c: {  	p1 =	slt.u32 s9, $0xF7A;
	s5 =	simm.s32 @!p2 $0x0  }
0x1d: {  	s5 =	simm.s32 @p1 $0x1;
	p0 =	seq.s32 s7, s2  }
0x1e: {  	s7 =	smul.u32 @!p0 $0xF7A, s2;
	p2 =	seq.s32 @!p0 s5, $0x0  }
0x1f: {  	s9 =	smul.u32 $0xF7A, s1;
	s8 =	simm.s32 @!p0 $0x1BF5;
	p2 =	por !p2, p0  }
0x20: {  	[sflag:s8] =	ssyncset.s32 @!p0 $0xFFFFF086;
	s6 =	sadd.s32 @!p0 s3, s7;
	s7 =	simm.s32 @!p0 $0x108  }
0x21: {  	s3 =	sadd.s32 s3, s9;
	s6 =	sadd.s32 @!p0 $0x88, s6;
	s7 =	simm.s32 @p2 $0x1082  }
0x22: {  	[simem:s7], [sflag:s8] =	dma.local @!p0 [hbm:s6], $0xF7A  }
0x23: {  	s9 =	sor.u32 $0xD0000000, s2;
	s6 =	simm.s32 $0x108;
	_ =	swait.ge @!p0 [sflag:s8], $0x0  }
0x24: {  	s3 =	sadd.s32 $0x88, s3;
	s6 =	simm.s32 @!p1 $0x1082;
	[sflag:s4] =	ssyncset.s32 $0xFFFFF086  }
0x25: {  	[simem:s6], [sflag:s4] =	dma.local [hbm:s3], $0xF7A  }
0x26: {  	[smem:$0x3F9A] =	sst s1;
	(tag) =	ssettag s2;
	_ =	strace s9  }
0x27: {  	s1 =	sld [smem:$0x3FAA]  }
0x28: {  	s2 =	sld [smem:$0x3FAB]  }
0x29: {  	s4 =	sld [smem:$0x3FAD]  }
0x2a: {  	p0 =	seq.s32 s5, $0x0;
	s5 =	sld [smem:$0x3FAE]  }
0x2b: {  	s6 =	sld [smem:$0x3FAF]  }
0x2c: {  	s7 =	sld [smem:$0x3FB0]  }
0x2d: {  	s3 =	simm.s32 $0x108;
	s8 =	sld [smem:$0x3FB1]  }
0x2e: {  	s3 =	simm.s32 @!p0 $0x1082;
	s9 =	sld [smem:$0x3FB2]  }
0x2f: {  	lr =	sadd.s32 s0, s3;
	s0 =	sld [smem:$0x3FA9]  }
0x30: {  	s3 =	sld [smem:$0x3FAC]  }
0x31: {  	[smem:$0x3FB5] =	sst s10  }
0x32: {  	s10 =	sld [smem:$0x3FB3];
	_ =	sdelay $0x3  }
0x33: {  	p0 =	seq.s32 s10, $0x1;
	s10 =	sld [smem:$0x3FB5];
	_ =	sdelay $0x3  }
0x34: {  	[smem:$0x3FB5] =	sst s10  }
0x35: {  	s10 =	sld [smem:$0x3FB4];
	_ =	sdelay $0x3  }
0x36: {  	p1 =	seq.s32 s10, $0x1;
	s10 =	sld [smem:$0x3FB5];
	_ =	sdelay $0x3  }
0x37: {  	[smem:$0x3FB5] =	sst s10  }
0x38: {  	s10 =	sld [smem:$0x3FB6]  }
0x39: {  	_ = 	snop;
	(pc) =	sbr.ind lr, $3  }
0x3a: {  	_ = 	snop  }
0x3b: {  	_ = 	snop  }
0x3c: {  	p2 =	seq.s32 s10, $0x1;
	s10 =	sld [smem:$0x3FB5]  }
0x3d: {  	_ =	shalt  }
0x3e: {  	_ =	shalt  }
0x3f: {  	_ =	shalt  }
0x40: {  	_ =	shalt  }
0x41: {  	_ =	shalt  }
0x42: {  	_ =	shalt  }
0x43: {  	_ =	shalt  }
0x44: {  	_ =	shalt  }
0x45: {  	_ =	shalt  }
0x46: {  	_ =	shalt  }
0x47: {  	_ =	shalt  }
0x48: {  	_ =	shalt  }
0x49: {  	_ =	shalt  }
0x4a: {  	_ =	shalt  }
0x4b: {  	_ =	shalt  }
0x4c: {  	_ =	shalt  }
0x4d: {  	_ =	shalt  }
0x4e: {  	_ =	shalt  }
0x4f: {  	_ =	shalt  }
0x50: {  	_ =	shalt  }
0x51: {  	_ =	shalt  }
0x52: {  	_ =	shalt  }
0x53: {  	_ =	shalt  }
0x54: {  	_ =	shalt  }
0x55: {  	_ =	shalt  }
0x56: {  	_ =	shalt  }
0x57: {  	_ =	shalt  }
0x58: {  	_ =	shalt  }
0x59: {  	_ =	shalt  }
0x5a: {  	_ =	shalt  }
0x5b: {  	_ =	shalt  }
0x5c: {  	_ =	shalt  }
0x5d: {  	_ =	shalt  }
0x5e: {  	_ =	shalt  }
0x5f: {  	_ =	shalt  }
0x60: {  	_ =	shalt  }
0x61: {  	_ =	shalt  }
0x62: {  	_ =	shalt  }
0x63: {  	_ =	shalt  }
0x64: {  	_ =	shalt  }
0x65: {  	_ =	shalt  }
0x66: {  	_ =	shalt  }
0x67: {  	_ =	shalt  }
0x68: {  	_ =	shalt  }
0x69: {  	_ =	shalt  }
0x6a: {  	_ =	shalt  }
0x6b: {  	_ =	shalt  }
0x6c: {  	_ =	shalt  }
0x6d: {  	_ =	shalt  }
0x6e: {  	_ =	shalt  }
0x6f: {  	_ =	shalt  }
0x70: {  	_ =	shalt  }
0x71: {  	_ =	shalt  }
0x72: {  	_ =	shalt  }
0x73: {  	_ =	shalt  }
0x74: {  	_ =	shalt  }
0x75: {  	_ =	shalt  }
0x76: {  	_ =	shalt  }
0x77: {  	_ =	shalt  }
0x78: {  	_ =	shalt  }
0x79: {  	_ =	shalt  }
0x7a: {  	_ =	shalt  }
0x7b: {  	_ =	shalt  }
0x7c: {  	_ =	shalt  }
0x7d: {  	_ =	shalt  }
0x7e: {  	_ =	shalt  }
0x7f: {  	_ =	shalt  }
0x80: {  	_ =	shalt  }
0x81: {  	_ =	shalt  }
0x82: {  	_ =	shalt  }
0x83: {  	_ =	shalt  }
0x84: {  	_ =	shalt  }
0x85: {  	_ =	shalt  }
0x86: {  	_ =	shalt  }
0x87: {  	_ =	shalt  }
.Lfunc_end0:
.L_simem_size_0:
called_computation_lowered:
.L_overlay_start_0:
0x88: {  	s2 =	sld [smem:$0x3FD9]  }
0x89: {  	s3 =	sld [smem:$0x3FFE];
	_ =	sdelay $0x1  }
0x8a: {  	s1 =	srdreg.scid  }
0x8b: {  	s0 =	sand.u32 $0x1, s1  }
0x8c: {  	s17 =	sshll.u32 s0, $0xA;
	s2 =	sadd.s32 s3, s2  }
0x8d: {  	s2 =	sadd.s32 s2, s17  }
0x8e: {  	[smem:$0x3FC1] =	sst s2  }
0x8f: {  	_ = 	snop  }
0x90: {  	s2 =	sld [smem:$0x3FD0];
	(tm) =	ssettm $0x1  }
0x91: {  	s18 =	sld [smem:$0x3FFB];
	_ =	sdelay $0x3  }
0x92: {  	_ =	strace s18  }
0x93: {  	s3 =	sld [smem:$0x3FFC];
	_ =	sdelay $0x3  }
0x94: {  	_ =	strace s3  }
0x95: {  	s3 =	sld [smem:$0x3FFD];
	_ =	sdelay $0x3  }
0x96: {  	_ =	strace s3  }
0x97: {  	_ =	strace $0x8FFFFFFF  }
0x98: {  	s19 =	sld [smem:$0x3FDB];
	_ =	sdelay $0x1  }
0x99: {  	s4 =	simm.s32 $_scs_section_size  }
0x9a: {  	s5 =	simm.s32 $_size__tile_overlayer_lowered;
	s6 =	simm.s32 $_tile_overlayer_lowered  }
0x9b: {  	s22 =	simm.s32 $0x1BFF;
	s21 =	sshll.u32 s6, $0x1;
	s3 =	sadd.s32 s4, s19  }
0x9c: {  	s7 =	simm.s32 $0x0;
	s20 =	sshll.u32 s5, $0x1;
	s5 =	sadd.s32 s21, s3  }
0x9d: {  	[timem:s7], [sflag:s22] =	dma.local [hbm:s5], s20  }
0x9e: {  	_ =	swait.ge [sflag:s22], s20  }
0x9f: {  	s4 =	ssub.s32 $0x0, s20;
	[sflag:s22] =	ssyncset.done $0x0  }
0xa0: {  	[sflag:s22] =	ssyncadd.s32 s4;
	_ =	sdelay $0x1  }
0xa1: {  	s23 =	simm.s32 $0x1B8B  }
0xa2: {  	_ =	swait.ge [sflag:s23], $0x1  }
0xa3: {  	[sflag:s23] =	ssyncset.done $0x0  }
0xa4: {  	s25 =	simm.s32 $0x1B8E;
	s24 =	sld [smem:$0x3FFE];
	[sflag:s23] =	ssyncadd.s32 $0xFFFFFFFF  }
0xa5: {  	s26 =	simm.s32 $execute0_lowered;
	[smem:$0x3FD2] =	sst s25  }
0xa6: {  	s5 =	sshll.u32 s26, $0x1;
	_ =	strace $0x80000046;
	[dreg:$0x1] =	wrdreg $0xFFFFFFFF  }
0xa7: {  	s28 =	simm.s32 $_size_execute0_lowered;
	s3 =	sadd.s32 s3, s5;
	[dreg:$0x0] =	wrdreg $0x0  }
0xa8: {  	s5 =	sshll.u32 s28, $0x1;
	[dreg:$0x2] =	wrdreg s3  }
0xa9: {  	[dreg:$0x3] =	wrdreg s5  }
0xaa: {  	[dreg:$0x4] =	wrdreg $0xC0  }
0xab: {  	_ =	task [dreg:s7], $0x5FFFF  }
0xac: {  	[dreg:$0x1] =	wrdreg $0xFFFFFFFF  }
0xad: {  	[dreg:$0x0] =	wrdreg $0x60  }
0xae: {  	[dreg:$0x2] =	wrdreg s2  }
0xaf: {  	[dreg:$0x3] =	wrdreg s24  }
0xb0: {  	[dreg:$0x4] =	wrdreg $0x94000  }
0xb1: {  	[dreg:$0x5] =	wrdreg $0x1D0000  }
0xb2: {  	[dreg:$0x6] =	wrdreg $0x9  }
0xb3: {  	_ =	task.clear_ibuf [dreg:s7], $0x7FFFF;
	_ =	strace $0x90000046  }
0xb4: {  	s29 =	simm.s32 $0x9;
	_ =	strace $0x80000048  }
0xb5: {  	_ =	swait.ge [sflag:s29], $0x1  }
0xb6: {  	[sflag:s29] =	ssyncadd.s32 $0xFFFFFFFF  }
0xb7: {  	_ =	strace $0x90000048  }
0xb8: {  	_ =	sfence  }
0xb9: {  	s30 =	sld [smem:$0x0];
	_ =	sdelay $0x2  }
0xba: {  	s31 =	sshll.u32 s1, $0xD;
	s1 =	sshrl.u32 s1, $0x2  }
0xbb: {  	s3 =	sand.u32 $0x4000, s31;
	s1 =	sadd.s32 s1, s30  }
0xbc: {  	s0 =	sor.u32 s3, s0;
	s1 =	sshll.u32 s1, $0x11  }
0xbd: {  	s0 =	sor.u32 s1, s0  }
0xbe: {  	s0 =	sadd.s32 $0x8F2B, s0  }
0xbf: {  	[sflag:s0] =	ssyncadd.remote.s32 $0x1  }
0xc0: {  	_ =	sfence.sel $0xFFFF  }
0xc1: {  	[dreg:$0x0] =	wrdreg $0xFFFFFFFF;
	(pc) =	sbr.abs _section_cstart, $3  }
0xc2: {  	[dreg:$0x1] =	wrdreg $0xFFFFFFFF  }
0xc3: {  	_ =	task.clear_ibuf [dreg:s7], $0x2FFFF;
	_ =	strace $0x9FFFFFFF  }
0xc4: {  	(tm) =	ssettm $0x7FFFFFFF  }
0xc5: {  	_ =	shalt  }
tec
execute0_lowered:
.L_overlay_start_1:
0x0: {  	(tag) =	ssettag $0x1  }
0x1: {  	s1 =	rddreg [dreg:$0x0]  }
0x2: {  	s6 =	rddreg [dreg:$0x1]  }
0x3: {  	s0 =	srdreg.scid;
	s3 =	rddreg [dreg:$0x2]  }
0x4: {  	s16 =	stileid.u32;
	s4 =	rddreg [dreg:$0x3];
	s5 =	simm.s32 $0x0  }
0x5: {  	s17 =	simm.s32 $0x2800;
	s18 =	simm.s32 $0x40;
	s19 =	simm.s32 $0x5000  }
0x6: {  	s20 =	simm.s32 $0x7000;
	s21 =	simm.s32 $0x1;
	s22 =	simm.s32 $0x9000  }
0x7: {  	s23 =	simm.s32 $0x3;
	s28 =	simm.s32 $0x4;
	s30 =	simm.s32 $0x4F80  }
0x8: {  	s31 =	simm.s32 $0x4FC0;
	s0 =	sand.u32 $0x1, s0;
	s7 =	smul.u32 $0x13C00, s16  }
0x9: {  	s2 =	sshll.u32 s16, $0x1;
	s8 =	smul.u32 $0x2780, s16;
	[smem:$0x7FF] =	sst s5  }
0xa: {  	s26 =	sshll.u32 s16, $0x6;
	s2 =	sor.u32 s0, s2;
	s9 =	smul.u32 $0x13C000, s0  }
0xb: {  	_ =	strace $0x80000047;
	s11 =	smul.u32 $0x27800, s0;
	s0 =	ssub.s32 $0x2, s0  }
0xc: {  	s2 =	smul.u32 $0x500, s2;
	s10 =	sshrl.u32 s7, $0x3;
	s12 =	sshrl.u32 s8, $0x3  }
0xd: {  	s25 =	sshrl.u32 s0, $0x1;
	s15 =	sadd.s32 s7, s3;
	s29 =	sadd.s32 s8, s4  }
0xe: {  	s10 =	sadd.s32 s10, s6;
	s12 =	sadd.s32 s12, s6;
	s9 =	sadd.s32 s7, s9  }
0xf: {  	s11 =	sadd.s32 s8, s11;
	s0 =	ssub.s32 s0, s25;
	s7 =	sor.u32 $0x1C05, s26  }
0x10: {  	s16 =	sshrl.u32 s29, $0x3;
	s25 =	simm.s32 $0x2;
	s26 =	simm.s32 $0x2840  }
0x11: {  	s2 =	sadd.s32 s2, s6;
	s9 =	sshrl.u32 s9, $0x3;
	s11 =	sshrl.u32 s11, $0x3  }
0x12: {  	s8 =	sadd.s32 $0x15A00, s12;
	s13 =	sadd.s32 s9, s6;
	s14 =	sadd.s32 s11, s6  }
0x13: {  	s6 =	sadd.s32 $0x1AA00, s10;
	s9 =	sadd.s32 $0x1A00, s2;
	s10 =	sadd.s32 $0xBA00, s2  }
0x14: {  	s2 =	simm.s32 $0x0;
	s11 =	sadd.s32 $0x4C000, s13;
	s12 =	sadd.s32 $0x42200, s14  }
0x15: {  	v0 =	vimm.f32 $1.000000000e+00;
	s13 =	smax.u32 s0, $0x1;
	s14 =	sshrl.u32 s15, $0x3;
	s15 =	simm.s32 $0x5  }
.LBB2_1:
0x16: {  	s0 =	simm.s32 $0x40;
	s24 =	simm.s32 $0x0  }
.LBB2_2:
0x17: {  	p0 =	sne.s32 s0, $0xFC0;
	[tilespmem:s24+$0x9000] =	vst v0;
	s24 =	smov.u32 s0;
	s0 =	sadd.s32 $0x40, s0  }
.Ltmp0:
0x18: {  	(pc) =	sbr.rel @p0 .LBB2_2-.Ltmp0, $2  }
0x19: {  	_ =	sdelay $0x2  }
0x1a: {  	s24 =	sshra.s32 s24, $0x2  }
0x1b: {  	[tilespmem:s24+$0x9000] =	vst v0  }
0x1c: {  	[spmem:s14], [sflag:s7] =	dma.local [hbm:s6], $0x2780  }
0x1d: {  	_ =	swait.ge [sflag:s15], $0x2780  }
0x1e: {  	[sflag:s15] =	ssyncset.done $0x0  }
0x1f: {  	[sflag:s15] =	ssyncadd.s32 $0xFFFFD880  }
0x20: {  	[spmem:s16], [sflag:s7] =	dma.local [hbm:s8], $0x4F0  }
0x21: {  	_ =	swait.ge [sflag:s15], $0x4F0  }
0x22: {  	[sflag:s15] =	ssyncset.done $0x0  }
0x23: {  	[sflag:s15] =	ssyncadd.s32 $0xFFFFFB10  }
0x24: {  	[tilespmem:s5], [sflag:$0x5] =	stream.linear.gather [hbm4b:s9+s5], $0x2800, $0x38;
	[tilespmem:$0x1F780] =	vst v63  }
0x25: {  	_ =	swait.ge [sflag:s15], $0x2800  }
0x26: {  	[sflag:s15] =	ssyncset.done $0x0  }
0x27: {  	[sflag:s15] =	ssyncadd.s32 $0xFFFFD800  }
0x28: {  	[tilespmem:s17], [sflag:$0x5] =	stream.linear.gather [hbm4b:s10+s5], $0x2800, $0x38;
	[tilespmem:$0x1F780] =	vst v63  }
0x29: {  	_ =	swait.ge [sflag:s15], $0x2800  }
0x2a: {  	[sflag:s15] =	ssyncset.done $0x0  }
0x2b: {  	[sflag:s15] =	ssyncadd.s32 $0xFFFFD800  }
0x2c: {  	[bflag:$0x0] =	sbarrier.arrive $0xFFFF  }
0x2d: {  	[tilespmem:s19], [sflag:$0x1] =	stream.indirect.gather [hbm4b:s1+s18], $0x80, s5, s18, $0xb8;
	[tilespmem:$0x1F780] =	vst v63  }
0x2e: {  	_ = 	snop  }
0x2f: {  	[tilespmem:s20], [sflag:$0x2] =	stream.indirect.gather [hbm4b:s1+s18], $0x80, s18, s18, $0xb8;
	[tilespmem:$0x1F780] =	vst v63  }
0x30: {  	_ =	swait.ge [sflag:s21], $0x2000  }
0x31: {  	[sflag:s21] =	ssyncset.done $0x0  }
0x32: {  	[sflag:s21] =	ssyncadd.s32 $0xFFFFE000  }
0x33: {  	[spmem:s3] =	stream.indirect.scatter.add.f32 [tilespmem:s19], [sflag:$0x3], $0x80, s17, s18, $0xb8;
	[tilespmem:$0x1F780] =	vst v63  }
0x34: {  	_ = 	snop  }
0x35: {  	[spmem:s4] =	stream.indirect.scatter.add.f32 [tilespmem:s22], [sflag:$0x3], $0x10, s17, s18, $0xb8;
	[tilespmem:$0x1F780] =	vst v63  }
0x36: {  	_ =	swait.ge [sflag:s23], $0x2000  }
0x37: {  	[sflag:s23] =	ssyncset.done $0x0  }
0x38: {  	[sflag:s23] =	ssyncadd.s32 $0xFFFFE000  }
0x39: {  	_ =	swait.ge [sflag:s23], $0x400  }
0x3a: {  	[sflag:s23] =	ssyncset.done $0x0  }
0x3b: {  	s0 =	simm.s32 $0x80;
	[sflag:s23] =	ssyncadd.s32 $0xFFFFFC00  }
0x3c: {  	[tilespmem:s19], [sflag:$0x1] =	stream.indirect.gather [hbm4b:s1+s18], $0x80, s0, s18, $0xb8;
	[tilespmem:$0x1F780] =	vst v63  }
0x3d: {  	_ =	swait.ge [sflag:s25], $0x2000  }
0x3e: {  	[sflag:s25] =	ssyncset.done $0x0  }
0x3f: {  	[sflag:s25] =	ssyncadd.s32 $0xFFFFE000  }
0x40: {  	[spmem:s3] =	stream.indirect.scatter.add.f32 [tilespmem:s20], [sflag:$0x4], $0x80, s26, s18, $0xb8;
	[tilespmem:$0x1F780] =	vst v63  }
0x41: {  	_ = 	snop  }
0x42: {  	[spmem:s4] =	stream.indirect.scatter.add.f32 [tilespmem:s22], [sflag:$0x4], $0x10, s26, s18, $0xb8;
	[tilespmem:$0x1F780] =	vst v63  }
0x43: {  	_ =	swait.ge [sflag:s28], $0x2000  }
0x44: {  	[sflag:s28] =	ssyncset.done $0x0  }
0x45: {  	[sflag:s28] =	ssyncadd.s32 $0xFFFFE000  }
0x46: {  	_ =	swait.ge [sflag:s28], $0x400  }
0x47: {  	[sflag:s28] =	ssyncset.done $0x0  }
0x48: {  	s29 =	simm.s32 $0xC0;
	[sflag:s28] =	ssyncadd.s32 $0xFFFFFC00  }
0x49: {  	[tilespmem:s20], [sflag:$0x2] =	stream.indirect.gather [hbm4b:s1+s18], $0x80, s29, s18, $0xb8;
	[tilespmem:$0x1F780] =	vst v63  }
0x4a: {  	_ =	swait.ge [sflag:s21], $0x2000  }
0x4b: {  	[sflag:s21] =	ssyncset.done $0x0  }
0x4c: {  	s24 =	simm.s32 $0x2880;
	[sflag:s21] =	ssyncadd.s32 $0xFFFFE000  }
0x4d: {  	[spmem:s3] =	stream.indirect.scatter.add.f32 [tilespmem:s19], [sflag:$0x3], $0x80, s24, s18, $0xb8;
	[tilespmem:$0x1F780] =	vst v63  }
0x4e: {  	_ = 	snop  }
0x4f: {  	[spmem:s4] =	stream.indirect.scatter.add.f32 [tilespmem:s22], [sflag:$0x3], $0x10, s24, s18, $0xb8;
	[tilespmem:$0x1F780] =	vst v63  }
0x50: {  	_ =	swait.ge [sflag:s23], $0x2000  }
0x51: {  	[sflag:s23] =	ssyncset.done $0x0  }
0x52: {  	[sflag:s23] =	ssyncadd.s32 $0xFFFFE000  }
0x53: {  	_ =	swait.ge [sflag:s23], $0x400  }
0x54: {  	[sflag:s23] =	ssyncset.done $0x0  }
0x55: {  	s29 =	simm.s32 $0x100;
	[sflag:s23] =	ssyncadd.s32 $0xFFFFFC00  }
0x56: {  	[tilespmem:s19], [sflag:$0x1] =	stream.indirect.gather [hbm4b:s1+s18], $0x80, s29, s18, $0xb8;
	[tilespmem:$0x1F780] =	vst v63  }
0x57: {  	_ =	swait.ge [sflag:s25], $0x2000  }
0x58: {  	[sflag:s25] =	ssyncset.done $0x0  }
0x59: {  	s0 =	simm.s32 $0xFFFF6600;
	s24 =	simm.s32 $0x28C0;
	[sflag:s25] =	ssyncadd.s32 $0xFFFFE000  }
0x5a: {  	[spmem:s3] =	stream.indirect.scatter.add.f32 [tilespmem:s20], [sflag:$0x4], $0x80, s24, s18, $0xb8;
	[tilespmem:$0x1F780] =	vst v63  }
.LBB2_4:
0x5b: {  	[spmem:s4] =	stream.indirect.scatter.add.f32 [tilespmem:s22], [sflag:$0x4], $0x10, s24, s18, $0xb8;
	[tilespmem:$0x1F780] =	vst v63  }
0x5c: {  	s24 =	smov.u32 s0  }
0x5d: {  	p0 =	sne.s32 s0, $0xFFFFFE00;
	s0 =	sadd.s32 $0x200, s0;
	_ =	swait.ge [sflag:s28], $0x2000  }
0x5e: {  	[sflag:s28] =	ssyncset.done $0x0  }
0x5f: {  	[sflag:s28] =	ssyncadd.s32 $0xFFFFE000  }
0x60: {  	_ =	swait.ge [sflag:s28], $0x400  }
0x61: {  	s24 =	sshra.s32 s24, $0x2;
	[sflag:s28] =	ssyncset.done $0x0  }
0x62: {  	s29 =	sadd.s32 $0x27C0, s24;
	[sflag:s28] =	ssyncadd.s32 $0xFFFFFC00  }
0x63: {  	[tilespmem:s20], [sflag:$0x2] =	stream.indirect.gather [hbm4b:s1+s18], $0x80, s29, s18, $0xb8;
	[tilespmem:$0x1F780] =	vst v63  }
0x64: {  	_ =	swait.ge [sflag:s21], $0x2000  }
0x65: {  	[sflag:s21] =	ssyncset.done $0x0  }
0x66: {  	s29 =	sadd.s32 $0x4F80, s24;
	[sflag:s21] =	ssyncadd.s32 $0xFFFFE000  }
0x67: {  	[spmem:s3] =	stream.indirect.scatter.add.f32 [tilespmem:s19], [sflag:$0x3], $0x80, s29, s18, $0xb8;
	[tilespmem:$0x1F780] =	vst v63  }
0x68: {  	_ = 	snop  }
0x69: {  	[spmem:s4] =	stream.indirect.scatter.add.f32 [tilespmem:s22], [sflag:$0x3], $0x10, s29, s18, $0xb8;
	[tilespmem:$0x1F780] =	vst v63  }
0x6a: {  	_ =	swait.ge [sflag:s23], $0x2000  }
0x6b: {  	[sflag:s23] =	ssyncset.done $0x0  }
0x6c: {  	[sflag:s23] =	ssyncadd.s32 $0xFFFFE000  }
0x6d: {  	_ =	swait.ge [sflag:s23], $0x400  }
0x6e: {  	[sflag:s23] =	ssyncset.done $0x0  }
0x6f: {  	s29 =	sadd.s32 $0x2800, s24;
	[sflag:s23] =	ssyncadd.s32 $0xFFFFFC00  }
0x70: {  	[tilespmem:s19], [sflag:$0x1] =	stream.indirect.gather [hbm4b:s1+s18], $0x80, s29, s18, $0xb8;
	[tilespmem:$0x1F780] =	vst v63  }
.Ltmp1:
0x71: {  	_ = 	snop;
	(pc) =	sbr.rel @p0 .LBB2_4-.Ltmp1, $4  }
0x72: {  	_ =	swait.ge [sflag:s25], $0x2000  }
0x73: {  	[sflag:s25] =	ssyncset.done $0x0  }
0x74: {  	s24 =	sadd.s32 $0x4FC0, s24;
	[sflag:s25] =	ssyncadd.s32 $0xFFFFE000  }
0x75: {  	[spmem:s3] =	stream.indirect.scatter.add.f32 [tilespmem:s20], [sflag:$0x4], $0x80, s24, s18, $0xb8;
	[tilespmem:$0x1F780] =	vst v63  }
0x76: {  	[spmem:s4] =	stream.indirect.scatter.add.f32 [tilespmem:s22], [sflag:$0x4], $0x10, s24, s18, $0xb8;
	[tilespmem:$0x1F780] =	vst v63  }
0x77: {  	_ =	swait.ge [sflag:s28], $0x2000  }
0x78: {  	[sflag:s28] =	ssyncset.done $0x0  }
0x79: {  	[sflag:s28] =	ssyncadd.s32 $0xFFFFE000  }
0x7a: {  	_ =	swait.ge [sflag:s28], $0x400  }
0x7b: {  	[sflag:s28] =	ssyncset.done $0x0  }
0x7c: {  	s0 =	simm.s32 $0x27C0;
	[sflag:s28] =	ssyncadd.s32 $0xFFFFFC00  }
0x7d: {  	[tilespmem:s20], [sflag:$0x2] =	stream.indirect.gather [hbm4b:s1+s18], $0x80, s0, s18, $0xb8;
	[tilespmem:$0x1F780] =	vst v63  }
0x7e: {  	_ =	swait.ge [sflag:s21], $0x2000  }
0x7f: {  	[sflag:s21] =	ssyncset.done $0x0  }
0x80: {  	[sflag:s21] =	ssyncadd.s32 $0xFFFFE000  }
0x81: {  	[spmem:s3] =	stream.indirect.scatter.add.f32 [tilespmem:s19], [sflag:$0x3], $0x80, s30, s18, $0xb8;
	[tilespmem:$0x1F780] =	vst v63  }
0x82: {  	_ = 	snop  }
0x83: {  	[spmem:s4] =	stream.indirect.scatter.add.f32 [tilespmem:s22], [sflag:$0x3], $0x10, s30, s18, $0xb8;
	[tilespmem:$0x1F780] =	vst v63  }
0x84: {  	_ =	swait.ge [sflag:s23], $0x2000  }
0x85: {  	[sflag:s23] =	ssyncset.done $0x0  }
0x86: {  	[sflag:s23] =	ssyncadd.s32 $0xFFFFE000  }
0x87: {  	_ =	swait.ge [sflag:s23], $0x400  }
0x88: {  	[sflag:s23] =	ssyncset.done $0x0  }
0x89: {  	[sflag:s23] =	ssyncadd.s32 $0xFFFFFC00  }
0x8a: {  	_ =	swait.ge [sflag:s25], $0x2000  }
0x8b: {  	[sflag:s25] =	ssyncset.done $0x0  }
0x8c: {  	[sflag:s25] =	ssyncadd.s32 $0xFFFFE000  }
0x8d: {  	[spmem:s3] =	stream.indirect.scatter.add.f32 [tilespmem:s20], [sflag:$0x4], $0x80, s31, s18, $0xb8;
	[tilespmem:$0x1F780] =	vst v63  }
0x8e: {  	_ = 	snop  }
0x8f: {  	[spmem:s4] =	stream.indirect.scatter.add.f32 [tilespmem:s22], [sflag:$0x4], $0x10, s31, s18, $0xb8;
	[tilespmem:$0x1F780] =	vst v63  }
0x90: {  	_ =	swait.ge [sflag:s28], $0x2000  }
0x91: {  	[sflag:s28] =	ssyncset.done $0x0  }
0x92: {  	[sflag:s28] =	ssyncadd.s32 $0xFFFFE000  }
0x93: {  	_ =	swait.ge [sflag:s28], $0x400  }
0x94: {  	[sflag:s28] =	ssyncset.done $0x0  }
0x95: {  	[sflag:s28] =	ssyncadd.s32 $0xFFFFFC00  }
0x96: {  	[bflag:$0x0] =	sbarrier.arrive $0xFFFF  }
0x97: {  	[hbm:s11], [sflag:s7] =	dma.local [spmem:s14], $0x2780  }
0x98: {  	s2 =	sadd.s32 $0x1, s2;
	_ =	swait.ge [sflag:s15], $0x2780  }
0x99: {  	p0 =	sne.s32 s2, s13;
	[sflag:s15] =	ssyncset.done $0x0  }
.Ltmp2:
0x9a: {  	[sflag:s15] =	ssyncadd.s32 $0xFFFFD880;
	(pc) =	sbr.rel @p0 .LBB2_1-.Ltmp2, $4  }
0x9b: {  	[hbm:s12], [sflag:s7] =	dma.local [spmem:s16], $0x4F0  }
0x9c: {  	_ =	swait.ge [sflag:s15], $0x4F0  }
0x9d: {  	[sflag:s15] =	ssyncset.done $0x0  }
0x9e: {  	[sflag:s15] =	ssyncadd.s32 $0xFFFFFB10  }
0x9f: {  	_ =	sfence.sel $0x180000  }
0xa0: {  	[bflag:$0x0] =	sbarrier.arrive $0xFFFF  }
0xa1: {  	_ =	strace $0x90000047  }
0xa2: {  	s0 =	stileid.u32;
	[bflag:$0x2] =	sbarrier.arrive $0xFFFF  }
0xa3: {  	p0 =	sne.s32 s0, $0x0;
	s0 =	rddreg [dreg:$0x4]  }
0xa4: {  	s0 =	sadd.s32 @!p0 $0x100000, s0  }
0xa5: {  	[sflag:s0] =	ssyncadd.tile.s32 @!p0 $0x1;
	_ =	shalt  }
.Lfunc_end2:
_tile_overlayer_lowered:
.L_overlay_start_2:
0xa6: {  	(tag) =	ssettag $0x2  }
0xa7: {  	s0 =	rddreg [dreg:$0x0];
	s2 =	stileid.u32  }
0xa8: {  	s1 =	rddreg [dreg:$0x1];
	p0 =	sne.s32 s2, $0x0  }
0xa9: {  	s3 =	rddreg [dreg:$0x2];
	[bflag:$0x3] =	sbarrier.arrive $0xFFFF;
	s2 =	simm.s32 @!p0 $0x1C05  }
0xaa: {  	[timem:s3], [sflag:s2] =	dma.local @!p0 [hbm:s0], s1  }
0xab: {  	s0 =	simm.s32 @!p0 $0x5  }
0xac: {  	_ =	swait.ge @!p0 [sflag:s0], s1  }
0xad: {  	s1 =	ssub.s32 @!p0 $0x0, s1;
	[sflag:s0] =	ssyncset.done @!p0 $0x0  }
0xae: {  	[sflag:s0] =	ssyncadd.s32 @!p0 s1  }
0xaf: {  	[bflag:$0x3] =	sbarrier.arrive $0xFFFF  }
0xb0: {  	_ =	shalt  }

</sc_bundles>
